<compile_context>
chip_gen: v7x
topology: tpu7x:2x2x1
jax: 0.10.2.dev20260603
libtpu: 0.0.44.dev20260713+nightly
codegen_flags: <defaults>
</compile_context>

<pallas_src>
import jax
import jax.numpy as jnp
from jax import lax
from jax.experimental import pallas as pl
from jax.experimental.pallas import tpu as pltpu
from jax.experimental.pallas import tpu_sc as plsc

_B = 32
_N = 8192
_C = 91
_NC = _N * _C
_K = 100
_WIN = 28672
_NWIN = _NC // _WIN
_HB = 15
_NBUCKET = 1 << _HB
_SHIFT = 32 - _HB
_CAP = 512
_SEGV = 64
_NSEG = _WIN // (_SEGV * 16)
_NSEGTOT = _NC // (_SEGV * 16)
_GPAD = 128
_GD = 24
_MININT = -(2 ** 31)

_sc_mesh = plsc.VectorSubcoreMesh(core_axis_name="c", subcore_axis_name="s")


def _worker_id():
    return lax.axis_index("s") * 2 + lax.axis_index("c")


def _bucketize(x):
    bits = lax.bitcast_convert_type(x, jnp.int32)
    m = lax.shift_right_arithmetic(bits, 31)
    key_u = bits ^ (m | _MININT)
    return lax.shift_right_logical(key_u, _SHIFT)


def _select_body(logits_hbm, vals_hbm, idx_hbm,
                 hist, wbuf, cbuf, cvals, cidx, segb, sem0, sem1):
    wid = _worker_id()
    zer = jnp.zeros((16,), jnp.int32)
    ones16 = jnp.ones((16,), jnp.int32)
    neg = jnp.full((16,), -jnp.inf, jnp.float32)
    iota16 = lax.iota(jnp.int32, 16)

    def zi(i, _):
        hist[pl.ds(i * 16, 16)] = zer
        return 0
    lax.fori_loop(0, _NBUCKET // 16, zi, 0)

    def zc(i, _):
        cvals[pl.ds(i * 16, 16)] = neg
        cidx[pl.ds(i * 16, 16)] = zer
        return 0
    lax.fori_loop(0, _CAP // 16, zc, 0)

    def dma(w, b, sem):
        return pltpu.make_async_copy(
            logits_hbm.at[wid, pl.ds(w * _WIN, _WIN)], wbuf.at[b], sem)

    def scan_window(w, b, gb_in):
        def seg(s, gb2):
            def inner(i, ms):
                base = s * (_SEGV * 16) + i * 128
                return tuple(
                    jnp.maximum(ms[u], wbuf[b, pl.ds(base + u * 16, 16)])
                    for u in range(8))
            ms = lax.fori_loop(0, _SEGV // 8, inner, (neg,) * 8)
            m01 = jnp.maximum(ms[0], ms[1])
            m23 = jnp.maximum(ms[2], ms[3])
            m45 = jnp.maximum(ms[4], ms[5])
            m67 = jnp.maximum(ms[6], ms[7])
            m = jnp.maximum(jnp.maximum(m01, m23), jnp.maximum(m45, m67))
            bv = _bucketize(m)
            plsc.addupdate_scatter(hist, [bv], ones16)
            sb = jnp.max(bv)
            segb[w * _NSEG + s] = sb
            return jnp.maximum(gb2, sb)
        return lax.fori_loop(0, _NSEG, seg, gb_in)

    dma(0, 0, sem0).start()
    dma(1, 1, sem1).start()

    def pair(g, gb):
        w0 = 2 * g
        dma(w0, 0, sem0).wait()
        gb = scan_window(w0, 0, gb)

        @pl.when(w0 + 2 < _NWIN)
        def _():
            dma(w0 + 2, 0, sem0).start()
        dma(w0 + 1, 1, sem1).wait()
        gb = scan_window(w0 + 1, 1, gb)

        @pl.when(w0 + 3 < _NWIN)
        def _():
            dma(w0 + 3, 1, sem1).start()
        return gb

    bmax = lax.fori_loop(0, _NWIN // 2, pair, jnp.int32(0))

    def cond(c):
        return c[2] < 0

    def wb(c):
        j, cum, bst = c
        v = hist[pl.ds(j * 16, 16)]
        rv = lax.rev(v, (0,))
        cs = jnp.cumsum(rv)
        nhit = jnp.sum((cs + cum >= _K).astype(jnp.int32))
        bst2 = jnp.where(nhit > 0, j * 16 + nhit - 1, bst)
        return (j - 1, cum + jnp.sum(v), bst2)

    _, _, bstar = lax.while_loop(
        cond, wb, (bmax >> 4, jnp.int32(0), jnp.int32(-1)))
    beff = jnp.maximum(bstar - 1, 0)

    def cseg(s, off):
        def do(o):
            pltpu.sync_copy(
                logits_hbm.at[wid, pl.ds(s * (_SEGV * 16), _SEGV * 16)], cbuf)
            base = s * (_SEGV * 16)

            def inner(i, o4):
                x = cbuf[pl.ds(i * 16, 16)]
                msk = _bucketize(x) >= beff
                oc = jnp.minimum(o4, _CAP - 16)
                plsc.store_compressed(cvals.at[pl.ds(oc, 16)], x, mask=msk)
                plsc.store_compressed(cidx.at[pl.ds(oc, 16)],
                                      iota16 + (base + i * 16), mask=msk)
                return o4 + jnp.sum(msk.astype(jnp.int32))
            return lax.fori_loop(0, _SEGV, inner, o)
        return lax.cond(segb[s] >= beff, do, lambda o: o, off)

    lax.fori_loop(0, _NSEGTOT, cseg, jnp.int32(0))

    pltpu.sync_copy(cvals, vals_hbm.at[wid])
    pltpu.sync_copy(cidx, idx_hbm.at[wid])


_select_candidates = pl.kernel(
    _select_body,
    out_type=[jax.ShapeDtypeStruct((_B, _CAP), jnp.float32),
              jax.ShapeDtypeStruct((_B, _CAP), jnp.int32)],
    mesh=_sc_mesh,
    compiler_params=pltpu.CompilerParams(needs_layout_passes=False),
    scratch_types=[
        pltpu.VMEM((_NBUCKET,), jnp.int32),
        pltpu.VMEM((2, _WIN), jnp.float32),
        pltpu.VMEM((_SEGV * 16,), jnp.float32),
        pltpu.VMEM((_CAP,), jnp.float32),
        pltpu.VMEM((_CAP,), jnp.int32),
        pltpu.SMEM((_NSEGTOT,), jnp.int32),
        pltpu.SemaphoreType.DMA,
        pltpu.SemaphoreType.DMA,
    ],
)


def _gather_body(params_hbm, rows_hbm, out_hbm, idxv, rowsv, sem):
    wid = _worker_id()
    pltpu.sync_copy(rows_hbm.at[wid], idxv)
    pltpu.async_copy(params_hbm.at[idxv], rowsv, sem).wait()
    pltpu.sync_copy(rowsv, out_hbm.at[wid])


_gather_rows = pl.kernel(
    _gather_body,
    out_type=jax.ShapeDtypeStruct((_B, _GPAD, _GD), jnp.float32),
    mesh=_sc_mesh,
    compiler_params=pltpu.CompilerParams(
        needs_layout_passes=False, use_tc_tiling_on_sc=False),
    scratch_types=[
        pltpu.VMEM((_GPAD,), jnp.int32),
        pltpu.VMEM((_GPAD, _GD), jnp.float32),
        pltpu.SemaphoreType.DMA,
    ],
)


def kernel(pred_logits, pred_params, target_sizes):
    B, N, C = pred_logits.shape
    flat = pred_logits.reshape(B, N * C)
    cand_vals, cand_idx = _select_candidates(flat)
    p = jax.nn.sigmoid(cand_vals)
    scores, pos = lax.top_k(p, _K)
    flat_idx = jnp.take_along_axis(cand_idx, pos, axis=1)
    labels = flat_idx % C
    rowbase = (jnp.arange(B, dtype=jnp.int32) * N)[:, None]
    rows = flat_idx // C + rowbase
    pad = jnp.broadcast_to(rowbase, (B, _GPAD - _K))
    rows_pad = jnp.concatenate([rows, pad], axis=1).astype(jnp.int32)
    params_pad = jnp.pad(pred_params.reshape(B * N, -1),
                         ((0, 0), (0, _GD - pred_params.shape[2])))
    boxes_g = _gather_rows(params_pad, rows_pad)
    img_h = target_sizes[:, 0].astype(jnp.float32)
    img_w = target_sizes[:, 1].astype(jnp.float32)
    scale_fct = jnp.stack([img_w, img_h] * 9, axis=1)
    boxes = boxes_g[:, :_K, :pred_params.shape[2]] * scale_fct[:, None, :]
    return scores, labels, boxes

# --- scband reference (transcript-rebuilt; emitter-appended) ---
"""Pipeline reference for scband-post-process-30391188586870 (READ-ONLY COPY).

The authoritative reference and input builder live on the scoring server;
editing this copy changes nothing except your own understanding.
"""

import jax, jax.numpy as jnp
import numpy as np

NUM_SELECT = 100

def setup_inputs(seed: int = 0) -> dict:
    key = jax.random.key(seed)
    k1, k2, k3 = jax.random.split(key, 3)
    pred_logits = jax.random.normal(k1, (32, 8192, 91), dtype=jnp.float32)
    pred_params = jax.random.uniform(k2, (32, 8192, 18), dtype=jnp.float32)
    target_sizes = jax.random.randint(k3, (32, 2), 0, 1333)
    return {"pred_logits": pred_logits, "pred_params": pred_params, "target_sizes": target_sizes}

def reference(pred_logits, pred_params, target_sizes):
    num_select = NUM_SELECT
    B, N, C = pred_logits.shape
    prob = jax.nn.sigmoid(pred_logits)
    topk_values, topk_indexes = jax.lax.top_k(prob.reshape(B, -1), num_select)
    scores = topk_values
    topk_boxes = topk_indexes // C
    labels = topk_indexes % C
    # to_xyxy=False path (box_ops.param_cxcywh_to_xyxy is external/undefined)
    boxes = pred_params
    idx = jnp.broadcast_to(topk_boxes[:, :, None], (B, num_select, boxes.shape[2]))
    boxes = jnp.take_along_axis(boxes, idx, axis=1)
    img_h = target_sizes[:, 0].astype(jnp.float32)
    img_w = target_sizes[:, 1].astype(jnp.float32)
    scale_fct = jnp.stack([img_w, img_h] * 9, axis=1)  # 18 // 2 = 9 repeats
    boxes = boxes * scale_fct[:, None, :]
    return scores, labels, boxes

if __name__ == "__main__":
    import jax
    _d = setup_inputs()
    print(jax.jit(kernel)(*tuple(_d.values())))

</pallas_src>

<mosaic_0001>
#map = affine_map<(d0, d1) -> (0, 0)>
module attributes {stable_mosaic.version = 14 : i64} {
  func.func @_select_body(%arg0: i32, %arg1: i32, %arg2: memref<32x745472xf32, #tpu.memory_space<hbm>>, %arg3: memref<32x512xf32, #tpu.memory_space<hbm>>, %arg4: memref<32x512xi32, #tpu.memory_space<hbm>>, %arg5: memref<32768xi32, #tpu.memory_space<vmem>>, %arg6: memref<2x28672xf32, #tpu.memory_space<vmem>>, %arg7: memref<1024xf32, #tpu.memory_space<vmem>>, %arg8: memref<512xf32, #tpu.memory_space<vmem>>, %arg9: memref<512xi32, #tpu.memory_space<vmem>>, %arg10: memref<728xi32, #tpu.memory_space<smem>>, %arg11: memref<!tpu.dma_semaphore, #tpu.memory_space<semaphore_mem>>, %arg12: memref<!tpu.dma_semaphore, #tpu.memory_space<semaphore_mem>>) attributes {dimension_semantics = [#tpu.dimension_semantics<core_parallel>, #tpu.dimension_semantics<subcore_parallel>], iteration_bounds = array<i64: 2, 16>, scalar_prefetch = 0 : i64, scratch_operands = 8 : i64, tpu.core_type = #tpu.core_type<sc_vector_subcore>, window_params = [{transform_indices = #map}, {transform_indices = #map}, {transform_indices = #map}]} {
    %mul3A = arith.constant 2 : i32
    %mul3A_0 = arith.muli %arg1, %mul3A : i32
    %add3A = arith.addi %mul3A_0, %arg0 : i32
    %broadcast_in_dim3A = arith.constant 0 : i32
    %broadcast_in_dim3A_1 = vector.broadcast %broadcast_in_dim3A : i32 to vector<16xi32>
    %broadcast_in_dim3A_2 = arith.constant 1 : i32
    %broadcast_in_dim3A_3 = vector.broadcast %broadcast_in_dim3A_2 : i32 to vector<16xi32>
    %broadcast_in_dim3A_4 = arith.constant 0xFF800000 : f32
    %broadcast_in_dim3A_5 = vector.broadcast %broadcast_in_dim3A_4 : f32 to vector<16xf32>
    %iota3A = tpu.iota {dimensions = array<i32: 0>} : vector<16xi32>
    %scan3A = arith.constant 0 : i32
    %scan3A_6 = arith.constant 0 : i32
    %scan3A_7 = arith.constant 2048 : i32
    %scan3A_8 = arith.addi %scan3A_6, %scan3A_7 : i32
    %scan3A_9 = arith.constant 1 : i32
    %scan3A_10 = scf.for %scan3A_63 = %scan3A_6 to %scan3A_8 step %scan3A_9 iter_args(%scan3A_64 = %scan3A) -> (i32)  : i32 {
      %mul3A_65 = arith.constant 16 : i32
      %mul3A_66 = arith.muli %scan3A_63, %mul3A_65 : i32
      %swap3A = arith.index_cast %mul3A_66 : i32 to index
      %swap3A_67 = tpu.vector_load %arg5[%swap3A] {strides = array<i32>} : memref<32768xi32, #tpu.memory_space<vmem>>, vector<16xi32>,
      tpu.vector_store %arg5[%swap3A], %broadcast_in_dim3A_1 {strides = array<i32>} : memref<32768xi32, #tpu.memory_space<vmem>>, vector<16xi32>,
      %scan3A_68 = arith.constant 0 : i32
      scf.yield %scan3A_68 : i32
    }
    %scan3A_11 = arith.constant 2048 : i32
    %scan3A_12 = arith.constant 0 : i32
    %scan3A_13 = arith.constant 0 : i32
    %scan3A_14 = arith.constant 32 : i32
    %scan3A_15 = arith.addi %scan3A_13, %scan3A_14 : i32
    %scan3A_16 = arith.constant 1 : i32
    %scan3A_17 = scf.for %scan3A_63 = %scan3A_13 to %scan3A_15 step %scan3A_16 iter_args(%scan3A_64 = %scan3A_12) -> (i32)  : i32 {
      %mul3A_65 = arith.constant 16 : i32
      %mul3A_66 = arith.muli %scan3A_63, %mul3A_65 : i32
      %swap3A = arith.index_cast %mul3A_66 : i32 to index
      %swap3A_67 = tpu.vector_load %arg8[%swap3A] {strides = array<i32>} : memref<512xf32, #tpu.memory_space<vmem>>, vector<16xf32>,
      tpu.vector_store %arg8[%swap3A], %broadcast_in_dim3A_5 {strides = array<i32>} : memref<512xf32, #tpu.memory_space<vmem>>, vector<16xf32>,
      %mul3A_68 = arith.constant 16 : i32
      %mul3A_69 = arith.muli %scan3A_63, %mul3A_68 : i32
      %swap3A_70 = arith.index_cast %mul3A_69 : i32 to index
      %swap3A_71 = tpu.vector_load %arg9[%swap3A_70] {strides = array<i32>} : memref<512xi32, #tpu.memory_space<vmem>>, vector<16xi32>,
      tpu.vector_store %arg9[%swap3A_70], %broadcast_in_dim3A_1 {strides = array<i32>} : memref<512xi32, #tpu.memory_space<vmem>>, vector<16xi32>,
      %scan3A_72 = arith.constant 0 : i32
      scf.yield %scan3A_72 : i32
    }
    %scan3A_18 = arith.constant 32 : i32
    %dma_start3A = arith.constant 0 : i32
    %dma_start3A_19 = arith.constant 0 : i32
    %dma_start3A_20 = tpu.memref_slice %arg6[%dma_start3A, %dma_start3A_19] : memref<2x28672xf32, #tpu.memory_space<vmem>> -> memref<1x28672xf32, #tpu.memory_space<vmem>>
    %dma_start3A_21 = tpu.memref_squeeze %dma_start3A_20 : memref<1x28672xf32, #tpu.memory_space<vmem>> -> memref<28672xf32, #tpu.memory_space<vmem>>
    %dma_start3A_22 = arith.constant 0 : i32
    %dma_start3A_23 = tpu.memref_slice %arg2[%add3A, %dma_start3A_22] : memref<32x745472xf32, #tpu.memory_space<hbm>> -> memref<1x28672xf32, #tpu.memory_space<hbm>>
    %dma_start3A_24 = tpu.memref_squeeze %dma_start3A_23 : memref<1x28672xf32, #tpu.memory_space<hbm>> -> memref<28672xf32, #tpu.memory_space<hbm>>
    %dma_start3A_25 = arith.constant 0 : i32
    %dma_start3A_26 = tpu.memref_slice %arg6[%dma_start3A, %dma_start3A_25] : memref<2x28672xf32, #tpu.memory_space<vmem>> -> memref<1x28672xf32, #tpu.memory_space<vmem>>
    %dma_start3A_27 = tpu.memref_squeeze %dma_start3A_26 : memref<1x28672xf32, #tpu.memory_space<vmem>> -> memref<28672xf32, #tpu.memory_space<vmem>>
    %dma_start3A_28 = arith.constant 0 : i32
    %dma_start3A_29 = tpu.memref_slice %arg2[%add3A, %dma_start3A_28] : memref<32x745472xf32, #tpu.memory_space<hbm>> -> memref<1x28672xf32, #tpu.memory_space<hbm>>
    %dma_start3A_30 = tpu.memref_squeeze %dma_start3A_29 : memref<1x28672xf32, #tpu.memory_space<hbm>> -> memref<28672xf32, #tpu.memory_space<hbm>>
    tpu.enqueue_dma source(%dma_start3A_30 : memref<28672xf32, #tpu.memory_space<hbm>>) target(%dma_start3A_27 : memref<28672xf32, #tpu.memory_space<vmem>>) target_semaphore(%arg11 : memref<!tpu.dma_semaphore, #tpu.memory_space<semaphore_mem>>)
    %dma_start3A_31 = arith.constant 1 : i32
    %dma_start3A_32 = arith.constant 0 : i32
    %dma_start3A_33 = tpu.memref_slice %arg6[%dma_start3A_31, %dma_start3A_32] : memref<2x28672xf32, #tpu.memory_space<vmem>> -> memref<1x28672xf32, #tpu.memory_space<vmem>>
    %dma_start3A_34 = tpu.memref_squeeze %dma_start3A_33 : memref<1x28672xf32, #tpu.memory_space<vmem>> -> memref<28672xf32, #tpu.memory_space<vmem>>
    %dma_start3A_35 = arith.constant 28672 : i32
    %dma_start3A_36 = tpu.memref_slice %arg2[%add3A, %dma_start3A_35] : memref<32x745472xf32, #tpu.memory_space<hbm>> -> memref<1x28672xf32, #tpu.memory_space<hbm>>
    %dma_start3A_37 = tpu.memref_squeeze %dma_start3A_36 : memref<1x28672xf32, #tpu.memory_space<hbm>> -> memref<28672xf32, #tpu.memory_space<hbm>>
    %dma_start3A_38 = arith.constant 0 : i32
    %dma_start3A_39 = tpu.memref_slice %arg6[%dma_start3A_31, %dma_start3A_38] : memref<2x28672xf32, #tpu.memory_space<vmem>> -> memref<1x28672xf32, #tpu.memory_space<vmem>>
    %dma_start3A_40 = tpu.memref_squeeze %dma_start3A_39 : memref<1x28672xf32, #tpu.memory_space<vmem>> -> memref<28672xf32, #tpu.memory_space<vmem>>
    %dma_start3A_41 = arith.constant 28672 : i32
    %dma_start3A_42 = tpu.memref_slice %arg2[%add3A, %dma_start3A_41] : memref<32x745472xf32, #tpu.memory_space<hbm>> -> memref<1x28672xf32, #tpu.memory_space<hbm>>
    %dma_start3A_43 = tpu.memref_squeeze %dma_start3A_42 : memref<1x28672xf32, #tpu.memory_space<hbm>> -> memref<28672xf32, #tpu.memory_space<hbm>>
    tpu.enqueue_dma source(%dma_start3A_43 : memref<28672xf32, #tpu.memory_space<hbm>>) target(%dma_start3A_40 : memref<28672xf32, #tpu.memory_space<vmem>>) target_semaphore(%arg12 : memref<!tpu.dma_semaphore, #tpu.memory_space<semaphore_mem>>)
    %scan3A_44 = arith.constant 0 : i32
    %scan3A_45 = arith.constant 0 : i32
    %scan3A_46 = arith.constant 13 : i32
    %scan3A_47 = arith.addi %scan3A_45, %scan3A_46 : i32
    %scan3A_48 = arith.constant 1 : i32
    %scan3A_49 = scf.for %scan3A_63 = %scan3A_45 to %scan3A_47 step %scan3A_48 iter_args(%scan3A_64 = %scan3A_44) -> (i32)  : i32 {
      %mul3A_65 = arith.constant 2 : i32
      %mul3A_66 = arith.muli %mul3A_65, %scan3A_63 : i32
      %mul3A_67 = arith.constant 28672 : i32
      %mul3A_68 = arith.muli %mul3A_66, %mul3A_67 : i32
      %dma_wait3A = arith.constant 0 : i32
      %dma_wait3A_69 = arith.constant 0 : i32
      %dma_wait3A_70 = tpu.memref_slice %arg6[%dma_wait3A, %dma_wait3A_69] : memref<2x28672xf32, #tpu.memory_space<vmem>> -> memref<1x28672xf32, #tpu.memory_space<vmem>>
      %dma_wait3A_71 = tpu.memref_squeeze %dma_wait3A_70 : memref<1x28672xf32, #tpu.memory_space<vmem>> -> memref<28672xf32, #tpu.memory_space<vmem>>
      %dma_wait3A_72 = tpu.memref_slice %arg2[%add3A, %mul3A_68] : memref<32x745472xf32, #tpu.memory_space<hbm>> -> memref<1x28672xf32, #tpu.memory_space<hbm>>
      %dma_wait3A_73 = tpu.memref_squeeze %dma_wait3A_72 : memref<1x28672xf32, #tpu.memory_space<hbm>> -> memref<28672xf32, #tpu.memory_space<hbm>>
      %dma_wait3A_74 = arith.constant 0 : i32
      %dma_wait3A_75 = tpu.memref_slice %arg6[%dma_wait3A, %dma_wait3A_74] : memref<2x28672xf32, #tpu.memory_space<vmem>> -> memref<1x28672xf32, #tpu.memory_space<vmem>>
      %dma_wait3A_76 = tpu.memref_squeeze %dma_wait3A_75 : memref<1x28672xf32, #tpu.memory_space<vmem>> -> memref<28672xf32, #tpu.memory_space<vmem>>
      %dma_wait3A_77 = tpu.memref_slice %arg2[%add3A, %mul3A_68] : memref<32x745472xf32, #tpu.memory_space<hbm>> -> memref<1x28672xf32, #tpu.memory_space<hbm>>
      %dma_wait3A_78 = tpu.memref_squeeze %dma_wait3A_77 : memref<1x28672xf32, #tpu.memory_space<hbm>> -> memref<28672xf32, #tpu.memory_space<hbm>>
      tpu.wait_dma2 semaphore(%arg11 : memref<!tpu.dma_semaphore, #tpu.memory_space<semaphore_mem>>) src(%dma_wait3A_78 : memref<28672xf32, #tpu.memory_space<hbm>>) dst(%dma_wait3A_76 : memref<28672xf32, #tpu.memory_space<vmem>>)
      %scan3A_79 = arith.constant 0 : i32
      %scan3A_80 = arith.constant 28 : i32
      %scan3A_81 = arith.addi %scan3A_79, %scan3A_80 : i32
      %scan3A_82 = arith.constant 1 : i32
      %scan3A_83 = scf.for %scan3A_119 = %scan3A_79 to %scan3A_81 step %scan3A_82 iter_args(%scan3A_120 = %scan3A_64) -> (i32)  : i32 {
        %scan3A_121 = arith.constant 0 : i32
        %scan3A_122 = arith.constant 8 : i32
        %scan3A_123 = arith.addi %scan3A_121, %scan3A_122 : i32
        %scan3A_124 = arith.constant 1 : i32
        %scan3A_125:8 = scf.for %scan3A_153 = %scan3A_121 to %scan3A_123 step %scan3A_124 iter_args(%scan3A_154 = %broadcast_in_dim3A_5, %scan3A_155 = %broadcast_in_dim3A_5, %scan3A_156 = %broadcast_in_dim3A_5, %scan3A_157 = %broadcast_in_dim3A_5, %scan3A_158 = %broadcast_in_dim3A_5, %scan3A_159 = %broadcast_in_dim3A_5, %scan3A_160 = %broadcast_in_dim3A_5, %scan3A_161 = %broadcast_in_dim3A_5) -> (vector<16xf32>, vector<16xf32>, vector<16xf32>, vector<16xf32>, vector<16xf32>, vector<16xf32>, vector<16xf32>, vector<16xf32>)  : i32 {
          %mul3A_162 = arith.constant 1024 : i32
          %mul3A_163 = arith.muli %scan3A_119, %mul3A_162 : i32
          %mul3A_164 = arith.constant 128 : i32
          %mul3A_165 = arith.muli %scan3A_153, %mul3A_164 : i32
          %add3A_166 = arith.addi %mul3A_163, %mul3A_165 : i32
          %add3A_167 = arith.constant 0 : i32
          %add3A_168 = arith.addi %add3A_166, %add3A_167 : i32
          %get3A = arith.constant 0 : i32
          %get3A_169 = arith.index_cast %get3A : i32 to index
          %get3A_170 = arith.index_cast %add3A_168 : i32 to index
          %get3A_171 = tpu.vector_load %arg6[%get3A_169, %get3A_170] {strides = array<i32>} : memref<2x28672xf32, #tpu.memory_space<vmem>>, vector<16xf32>,
          %max3A_172 = arith.maximumf %scan3A_154, %get3A_171 : vector<16xf32>
          %add3A_173 = arith.constant 16 : i32
          %add3A_174 = arith.addi %add3A_166, %add3A_173 : i32
          %get3A_175 = arith.constant 0 : i32
          %get3A_176 = arith.index_cast %get3A_175 : i32 to index
          %get3A_177 = arith.index_cast %add3A_174 : i32 to index
          %get3A_178 = tpu.vector_load %arg6[%get3A_176, %get3A_177] {strides = array<i32>} : memref<2x28672xf32, #tpu.memory_space<vmem>>, vector<16xf32>,
          %max3A_179 = arith.maximumf %scan3A_155, %get3A_178 : vector<16xf32>
          %add3A_180 = arith.constant 32 : i32
          %add3A_181 = arith.addi %add3A_166, %add3A_180 : i32
          %get3A_182 = arith.constant 0 : i32
          %get3A_183 = arith.index_cast %get3A_182 : i32 to index
          %get3A_184 = arith.index_cast %add3A_181 : i32 to index
          %get3A_185 = tpu.vector_load %arg6[%get3A_183, %get3A_184] {strides = array<i32>} : memref<2x28672xf32, #tpu.memory_space<vmem>>, vector<16xf32>,
          %max3A_186 = arith.maximumf %scan3A_156, %get3A_185 : vector<16xf32>
          %add3A_187 = arith.constant 48 : i32
          %add3A_188 = arith.addi %add3A_166, %add3A_187 : i32
          %get3A_189 = arith.constant 0 : i32
          %get3A_190 = arith.index_cast %get3A_189 : i32 to index
          %get3A_191 = arith.index_cast %add3A_188 : i32 to index
          %get3A_192 = tpu.vector_load %arg6[%get3A_190, %get3A_191] {strides = array<i32>} : memref<2x28672xf32, #tpu.memory_space<vmem>>, vector<16xf32>,
          %max3A_193 = arith.maximumf %scan3A_157, %get3A_192 : vector<16xf32>
          %add3A_194 = arith.constant 64 : i32
          %add3A_195 = arith.addi %add3A_166, %add3A_194 : i32
          %get3A_196 = arith.constant 0 : i32
          %get3A_197 = arith.index_cast %get3A_196 : i32 to index
          %get3A_198 = arith.index_cast %add3A_195 : i32 to index
          %get3A_199 = tpu.vector_load %arg6[%get3A_197, %get3A_198] {strides = array<i32>} : memref<2x28672xf32, #tpu.memory_space<vmem>>, vector<16xf32>,
          %max3A_200 = arith.maximumf %scan3A_158, %get3A_199 : vector<16xf32>
          %add3A_201 = arith.constant 80 : i32
          %add3A_202 = arith.addi %add3A_166, %add3A_201 : i32
          %get3A_203 = arith.constant 0 : i32
          %get3A_204 = arith.index_cast %get3A_203 : i32 to index
          %get3A_205 = arith.index_cast %add3A_202 : i32 to index
          %get3A_206 = tpu.vector_load %arg6[%get3A_204, %get3A_205] {strides = array<i32>} : memref<2x28672xf32, #tpu.memory_space<vmem>>, vector<16xf32>,
          %max3A_207 = arith.maximumf %scan3A_159, %get3A_206 : vector<16xf32>
          %add3A_208 = arith.constant 96 : i32
          %add3A_209 = arith.addi %add3A_166, %add3A_208 : i32
          %get3A_210 = arith.constant 0 : i32
          %get3A_211 = arith.index_cast %get3A_210 : i32 to index
          %get3A_212 = arith.index_cast %add3A_209 : i32 to index
          %get3A_213 = tpu.vector_load %arg6[%get3A_211, %get3A_212] {strides = array<i32>} : memref<2x28672xf32, #tpu.memory_space<vmem>>, vector<16xf32>,
          %max3A_214 = arith.maximumf %scan3A_160, %get3A_213 : vector<16xf32>
          %add3A_215 = arith.constant 112 : i32
          %add3A_216 = arith.addi %add3A_166, %add3A_215 : i32
          %get3A_217 = arith.constant 0 : i32
          %get3A_218 = arith.index_cast %get3A_217 : i32 to index
          %get3A_219 = arith.index_cast %add3A_216 : i32 to index
          %get3A_220 = tpu.vector_load %arg6[%get3A_218, %get3A_219] {strides = array<i32>} : memref<2x28672xf32, #tpu.memory_space<vmem>>, vector<16xf32>,
          %max3A_221 = arith.maximumf %scan3A_161, %get3A_220 : vector<16xf32>
          scf.yield %max3A_172, %max3A_179, %max3A_186, %max3A_193, %max3A_200, %max3A_207, %max3A_214, %max3A_221 : vector<16xf32>, vector<16xf32>, vector<16xf32>, vector<16xf32>, vector<16xf32>, vector<16xf32>, vector<16xf32>, vector<16xf32>
        }
        %scan3A_126 = arith.constant 8 : i32
        %max3A_127 = arith.maximumf %scan3A_125#0, %scan3A_125#1 : vector<16xf32>
        %max3A_128 = arith.maximumf %scan3A_125#2, %scan3A_125#3 : vector<16xf32>
        %max3A_129 = arith.maximumf %scan3A_125#4, %scan3A_125#5 : vector<16xf32>
        %max3A_130 = arith.maximumf %scan3A_125#6, %scan3A_125#7 : vector<16xf32>
        %max3A_131 = arith.maximumf %max3A_127, %max3A_128 : vector<16xf32>
        %max3A_132 = arith.maximumf %max3A_129, %max3A_130 : vector<16xf32>
        %max3A_133 = arith.maximumf %max3A_131, %max3A_132 : vector<16xf32>
        %bitcast_convert_type3A = tpu.bitcast %max3A_133 : vector<16xf32> -> vector<16xi32>
        %shift_right_arithmetic3A_134 = arith.constant 31 : i32
        %shift_right_arithmetic3A_135 = vector.broadcast %shift_right_arithmetic3A_134 : i32 to vector<16xi32>
        %shift_right_arithmetic3A_136 = arith.shrsi %bitcast_convert_type3A, %shift_right_arithmetic3A_135 : vector<16xi32>
        %or3A = arith.constant -2147483648 : i32
        %or3A_137 = vector.broadcast %or3A : i32 to vector<16xi32>
        %or3A_138 = arith.ori %shift_right_arithmetic3A_136, %or3A_137 : vector<16xi32>
        %xor3A = arith.xori %bitcast_convert_type3A, %or3A_138 : vector<16xi32>
        %shift_right_logical3A = arith.constant 17 : i32
        %shift_right_logical3A_139 = vector.broadcast %shift_right_logical3A : i32 to vector<16xi32>
        %shift_right_logical3A_140 = arith.shrui %xor3A, %shift_right_logical3A_139 : vector<16xi32>
        tpu.vector_store_idx %arg5[%shift_right_logical3A_140], %broadcast_in_dim3A_3 {add = true} : memref<32768xi32, #tpu.memory_space<vmem>>[vector<16xi32>], vector<16xi32>,
        %reduce_max3A = arith.constant true
        %reduce_max3A_141 = vector.broadcast %reduce_max3A : i1 to vector<16xi1>
        %reduce_max3A_142 = arith.constant -2147483648 : i32
        %reduce_max3A_143 = vector.broadcast %reduce_max3A_142 : i32 to vector<16xi32>
        %reduce_max3A_144 = arith.xori %shift_right_logical3A_140, %reduce_max3A_143 : vector<16xi32>
        %reduce_max3A_145 = tpu.scan <max>, %reduce_max3A_144 masked %reduce_max3A_141 : vector<16xi32>, vector<16xi1> -> vector<16xi32>
        %reduce_max3A_146 = arith.xori %reduce_max3A_145, %reduce_max3A_143 : vector<16xi32>
        %reduce_max3A_147 = vector.extract %reduce_max3A_146[15] : i32 from vector<16xi32>
        %mul3A_148 = arith.constant 28 : i32
        %mul3A_149 = arith.muli %mul3A_66, %mul3A_148 : i32
        %add3A_150 = arith.addi %mul3A_149, %scan3A_119 : i32
        %swap3A = arith.index_cast %add3A_150 : i32 to index
        %swap3A_151 = memref.load %arg10[%swap3A] : memref<728xi32, #tpu.memory_space<smem>>
        memref.store %reduce_max3A_147, %arg10[%swap3A] : memref<728xi32, #tpu.memory_space<smem>>
        %max3A_152 = arith.maxsi %scan3A_120, %reduce_max3A_147 : i32
        scf.yield %max3A_152 : i32
      }
      %scan3A_84 = arith.constant 28 : i32
      %add3A_85 = arith.constant 2 : i32
      %add3A_86 = arith.addi %mul3A_66, %add3A_85 : i32
      %lt3A = arith.constant 26 : i32
      %lt3A_87 = arith.cmpi slt, %add3A_86, %lt3A : i32
      %convert_element_type3A = arith.extui %lt3A_87 : i1 to i32
      %cond3A = arith.constant 0 : i32
      %cond3A_88 = arith.cmpi ne, %convert_element_type3A, %cond3A : i32
      scf.if %cond3A_88 {
        %add3A_119 = arith.constant 2 : i32
        %add3A_120 = arith.addi %mul3A_66, %add3A_119 : i32
        %mul3A_121 = arith.constant 28672 : i32
        %mul3A_122 = arith.muli %add3A_120, %mul3A_121 : i32
        %dma_start3A_123 = arith.constant 0 : i32
        %dma_start3A_124 = arith.constant 0 : i32
        %dma_start3A_125 = tpu.memref_slice %arg6[%dma_start3A_123, %dma_start3A_124] : memref<2x28672xf32, #tpu.memory_space<vmem>> -> memref<1x28672xf32, #tpu.memory_space<vmem>>
        %dma_start3A_126 = tpu.memref_squeeze %dma_start3A_125 : memref<1x28672xf32, #tpu.memory_space<vmem>> -> memref<28672xf32, #tpu.memory_space<vmem>>
        %dma_start3A_127 = tpu.memref_slice %arg2[%add3A, %mul3A_122] : memref<32x745472xf32, #tpu.memory_space<hbm>> -> memref<1x28672xf32, #tpu.memory_space<hbm>>
        %dma_start3A_128 = tpu.memref_squeeze %dma_start3A_127 : memref<1x28672xf32, #tpu.memory_space<hbm>> -> memref<28672xf32, #tpu.memory_space<hbm>>
        %dma_start3A_129 = arith.constant 0 : i32
        %dma_start3A_130 = tpu.memref_slice %arg6[%dma_start3A_123, %dma_start3A_129] : memref<2x28672xf32, #tpu.memory_space<vmem>> -> memref<1x28672xf32, #tpu.memory_space<vmem>>
        %dma_start3A_131 = tpu.memref_squeeze %dma_start3A_130 : memref<1x28672xf32, #tpu.memory_space<vmem>> -> memref<28672xf32, #tpu.memory_space<vmem>>
        %dma_start3A_132 = tpu.memref_slice %arg2[%add3A, %mul3A_122] : memref<32x745472xf32, #tpu.memory_space<hbm>> -> memref<1x28672xf32, #tpu.memory_space<hbm>>
        %dma_start3A_133 = tpu.memref_squeeze %dma_start3A_132 : memref<1x28672xf32, #tpu.memory_space<hbm>> -> memref<28672xf32, #tpu.memory_space<hbm>>
        tpu.enqueue_dma source(%dma_start3A_133 : memref<28672xf32, #tpu.memory_space<hbm>>) target(%dma_start3A_131 : memref<28672xf32, #tpu.memory_space<vmem>>) target_semaphore(%arg11 : memref<!tpu.dma_semaphore, #tpu.memory_space<semaphore_mem>>)
      } else {
      }
      %add3A_89 = arith.constant 1 : i32
      %add3A_90 = arith.addi %mul3A_66, %add3A_89 : i32
      %mul3A_91 = arith.constant 28672 : i32
      %mul3A_92 = arith.muli %add3A_90, %mul3A_91 : i32
      %dma_wait3A_93 = arith.constant 1 : i32
      %dma_wait3A_94 = arith.constant 0 : i32
      %dma_wait3A_95 = tpu.memref_slice %arg6[%dma_wait3A_93, %dma_wait3A_94] : memref<2x28672xf32, #tpu.memory_space<vmem>> -> memref<1x28672xf32, #tpu.memory_space<vmem>>
      %dma_wait3A_96 = tpu.memref_squeeze %dma_wait3A_95 : memref<1x28672xf32, #tpu.memory_space<vmem>> -> memref<28672xf32, #tpu.memory_space<vmem>>
      %dma_wait3A_97 = tpu.memref_slice %arg2[%add3A, %mul3A_92] : memref<32x745472xf32, #tpu.memory_space<hbm>> -> memref<1x28672xf32, #tpu.memory_space<hbm>>
      %dma_wait3A_98 = tpu.memref_squeeze %dma_wait3A_97 : memref<1x28672xf32, #tpu.memory_space<hbm>> -> memref<28672xf32, #tpu.memory_space<hbm>>
      %dma_wait3A_99 = arith.constant 0 : i32
      %dma_wait3A_100 = tpu.memref_slice %arg6[%dma_wait3A_93, %dma_wait3A_99] : memref<2x28672xf32, #tpu.memory_space<vmem>> -> memref<1x28672xf32, #tpu.memory_space<vmem>>
      %dma_wait3A_101 = tpu.memref_squeeze %dma_wait3A_100 : memref<1x28672xf32, #tpu.memory_space<vmem>> -> memref<28672xf32, #tpu.memory_space<vmem>>
      %dma_wait3A_102 = tpu.memref_slice %arg2[%add3A, %mul3A_92] : memref<32x745472xf32, #tpu.memory_space<hbm>> -> memref<1x28672xf32, #tpu.memory_space<hbm>>
      %dma_wait3A_103 = tpu.memref_squeeze %dma_wait3A_102 : memref<1x28672xf32, #tpu.memory_space<hbm>> -> memref<28672xf32, #tpu.memory_space<hbm>>
      tpu.wait_dma2 semaphore(%arg12 : memref<!tpu.dma_semaphore, #tpu.memory_space<semaphore_mem>>) src(%dma_wait3A_103 : memref<28672xf32, #tpu.memory_space<hbm>>) dst(%dma_wait3A_101 : memref<28672xf32, #tpu.memory_space<vmem>>)
      %add3A_104 = arith.constant 1 : i32
      %add3A_105 = arith.addi %mul3A_66, %add3A_104 : i32
      %scan3A_106 = arith.constant 0 : i32
      %scan3A_107 = arith.constant 28 : i32
      %scan3A_108 = arith.addi %scan3A_106, %scan3A_107 : i32
      %scan3A_109 = arith.constant 1 : i32
      %scan3A_110 = scf.for %scan3A_119 = %scan3A_106 to %scan3A_108 step %scan3A_109 iter_args(%scan3A_120 = %scan3A_83) -> (i32)  : i32 {
        %scan3A_121 = arith.constant 0 : i32
        %scan3A_122 = arith.constant 8 : i32
        %scan3A_123 = arith.addi %scan3A_121, %scan3A_122 : i32
        %scan3A_124 = arith.constant 1 : i32
        %scan3A_125:8 = scf.for %scan3A_153 = %scan3A_121 to %scan3A_123 step %scan3A_124 iter_args(%scan3A_154 = %broadcast_in_dim3A_5, %scan3A_155 = %broadcast_in_dim3A_5, %scan3A_156 = %broadcast_in_dim3A_5, %scan3A_157 = %broadcast_in_dim3A_5, %scan3A_158 = %broadcast_in_dim3A_5, %scan3A_159 = %broadcast_in_dim3A_5, %scan3A_160 = %broadcast_in_dim3A_5, %scan3A_161 = %broadcast_in_dim3A_5) -> (vector<16xf32>, vector<16xf32>, vector<16xf32>, vector<16xf32>, vector<16xf32>, vector<16xf32>, vector<16xf32>, vector<16xf32>)  : i32 {
          %mul3A_162 = arith.constant 1024 : i32
          %mul3A_163 = arith.muli %scan3A_119, %mul3A_162 : i32
          %mul3A_164 = arith.constant 128 : i32
          %mul3A_165 = arith.muli %scan3A_153, %mul3A_164 : i32
          %add3A_166 = arith.addi %mul3A_163, %mul3A_165 : i32
          %add3A_167 = arith.constant 0 : i32
          %add3A_168 = arith.addi %add3A_166, %add3A_167 : i32
          %get3A = arith.constant 1 : i32
          %get3A_169 = arith.index_cast %get3A : i32 to index
          %get3A_170 = arith.index_cast %add3A_168 : i32 to index
          %get3A_171 = tpu.vector_load %arg6[%get3A_169, %get3A_170] {strides = array<i32>} : memref<2x28672xf32, #tpu.memory_space<vmem>>, vector<16xf32>,
          %max3A_172 = arith.maximumf %scan3A_154, %get3A_171 : vector<16xf32>
          %add3A_173 = arith.constant 16 : i32
          %add3A_174 = arith.addi %add3A_166, %add3A_173 : i32
          %get3A_175 = arith.constant 1 : i32
          %get3A_176 = arith.index_cast %get3A_175 : i32 to index
          %get3A_177 = arith.index_cast %add3A_174 : i32 to index
          %get3A_178 = tpu.vector_load %arg6[%get3A_176, %get3A_177] {strides = array<i32>} : memref<2x28672xf32, #tpu.memory_space<vmem>>, vector<16xf32>,
          %max3A_179 = arith.maximumf %scan3A_155, %get3A_178 : vector<16xf32>
          %add3A_180 = arith.constant 32 : i32
          %add3A_181 = arith.addi %add3A_166, %add3A_180 : i32
          %get3A_182 = arith.constant 1 : i32
          %get3A_183 = arith.index_cast %get3A_182 : i32 to index
          %get3A_184 = arith.index_cast %add3A_181 : i32 to index
          %get3A_185 = tpu.vector_load %arg6[%get3A_183, %get3A_184] {strides = array<i32>} : memref<2x28672xf32, #tpu.memory_space<vmem>>, vector<16xf32>,
          %max3A_186 = arith.maximumf %scan3A_156, %get3A_185 : vector<16xf32>
          %add3A_187 = arith.constant 48 : i32
          %add3A_188 = arith.addi %add3A_166, %add3A_187 : i32
          %get3A_189 = arith.constant 1 : i32
          %get3A_190 = arith.index_cast %get3A_189 : i32 to index
          %get3A_191 = arith.index_cast %add3A_188 : i32 to index
          %get3A_192 = tpu.vector_load %arg6[%get3A_190, %get3A_191] {strides = array<i32>} : memref<2x28672xf32, #tpu.memory_space<vmem>>, vector<16xf32>,
          %max3A_193 = arith.maximumf %scan3A_157, %get3A_192 : vector<16xf32>
          %add3A_194 = arith.constant 64 : i32
          %add3A_195 = arith.addi %add3A_166, %add3A_194 : i32
          %get3A_196 = arith.constant 1 : i32
          %get3A_197 = arith.index_cast %get3A_196 : i32 to index
          %get3A_198 = arith.index_cast %add3A_195 : i32 to index
          %get3A_199 = tpu.vector_load %arg6[%get3A_197, %get3A_198] {strides = array<i32>} : memref<2x28672xf32, #tpu.memory_space<vmem>>, vector<16xf32>,
          %max3A_200 = arith.maximumf %scan3A_158, %get3A_199 : vector<16xf32>
          %add3A_201 = arith.constant 80 : i32
          %add3A_202 = arith.addi %add3A_166, %add3A_201 : i32
          %get3A_203 = arith.constant 1 : i32
          %get3A_204 = arith.index_cast %get3A_203 : i32 to index
          %get3A_205 = arith.index_cast %add3A_202 : i32 to index
          %get3A_206 = tpu.vector_load %arg6[%get3A_204, %get3A_205] {strides = array<i32>} : memref<2x28672xf32, #tpu.memory_space<vmem>>, vector<16xf32>,
          %max3A_207 = arith.maximumf %scan3A_159, %get3A_206 : vector<16xf32>
          %add3A_208 = arith.constant 96 : i32
          %add3A_209 = arith.addi %add3A_166, %add3A_208 : i32
          %get3A_210 = arith.constant 1 : i32
          %get3A_211 = arith.index_cast %get3A_210 : i32 to index
          %get3A_212 = arith.index_cast %add3A_209 : i32 to index
          %get3A_213 = tpu.vector_load %arg6[%get3A_211, %get3A_212] {strides = array<i32>} : memref<2x28672xf32, #tpu.memory_space<vmem>>, vector<16xf32>,
          %max3A_214 = arith.maximumf %scan3A_160, %get3A_213 : vector<16xf32>
          %add3A_215 = arith.constant 112 : i32
          %add3A_216 = arith.addi %add3A_166, %add3A_215 : i32
          %get3A_217 = arith.constant 1 : i32
          %get3A_218 = arith.index_cast %get3A_217 : i32 to index
          %get3A_219 = arith.index_cast %add3A_216 : i32 to index
          %get3A_220 = tpu.vector_load %arg6[%get3A_218, %get3A_219] {strides = array<i32>} : memref<2x28672xf32, #tpu.memory_space<vmem>>, vector<16xf32>,
          %max3A_221 = arith.maximumf %scan3A_161, %get3A_220 : vector<16xf32>
          scf.yield %max3A_172, %max3A_179, %max3A_186, %max3A_193, %max3A_200, %max3A_207, %max3A_214, %max3A_221 : vector<16xf32>, vector<16xf32>, vector<16xf32>, vector<16xf32>, vector<16xf32>, vector<16xf32>, vector<16xf32>, vector<16xf32>
        }
        %scan3A_126 = arith.constant 8 : i32
        %max3A_127 = arith.maximumf %scan3A_125#0, %scan3A_125#1 : vector<16xf32>
        %max3A_128 = arith.maximumf %scan3A_125#2, %scan3A_125#3 : vector<16xf32>
        %max3A_129 = arith.maximumf %scan3A_125#4, %scan3A_125#5 : vector<16xf32>
        %max3A_130 = arith.maximumf %scan3A_125#6, %scan3A_125#7 : vector<16xf32>
        %max3A_131 = arith.maximumf %max3A_127, %max3A_128 : vector<16xf32>
        %max3A_132 = arith.maximumf %max3A_129, %max3A_130 : vector<16xf32>
        %max3A_133 = arith.maximumf %max3A_131, %max3A_132 : vector<16xf32>
        %bitcast_convert_type3A = tpu.bitcast %max3A_133 : vector<16xf32> -> vector<16xi32>
        %shift_right_arithmetic3A_134 = arith.constant 31 : i32
        %shift_right_arithmetic3A_135 = vector.broadcast %shift_right_arithmetic3A_134 : i32 to vector<16xi32>
        %shift_right_arithmetic3A_136 = arith.shrsi %bitcast_convert_type3A, %shift_right_arithmetic3A_135 : vector<16xi32>
        %or3A = arith.constant -2147483648 : i32
        %or3A_137 = vector.broadcast %or3A : i32 to vector<16xi32>
        %or3A_138 = arith.ori %shift_right_arithmetic3A_136, %or3A_137 : vector<16xi32>
        %xor3A = arith.xori %bitcast_convert_type3A, %or3A_138 : vector<16xi32>
        %shift_right_logical3A = arith.constant 17 : i32
        %shift_right_logical3A_139 = vector.broadcast %shift_right_logical3A : i32 to vector<16xi32>
        %shift_right_logical3A_140 = arith.shrui %xor3A, %shift_right_logical3A_139 : vector<16xi32>
        tpu.vector_store_idx %arg5[%shift_right_logical3A_140], %broadcast_in_dim3A_3 {add = true} : memref<32768xi32, #tpu.memory_space<vmem>>[vector<16xi32>], vector<16xi32>,
        %reduce_max3A = arith.constant true
        %reduce_max3A_141 = vector.broadcast %reduce_max3A : i1 to vector<16xi1>
        %reduce_max3A_142 = arith.constant -2147483648 : i32
        %reduce_max3A_143 = vector.broadcast %reduce_max3A_142 : i32 to vector<16xi32>
        %reduce_max3A_144 = arith.xori %shift_right_logical3A_140, %reduce_max3A_143 : vector<16xi32>
        %reduce_max3A_145 = tpu.scan <max>, %reduce_max3A_144 masked %reduce_max3A_141 : vector<16xi32>, vector<16xi1> -> vector<16xi32>
        %reduce_max3A_146 = arith.xori %reduce_max3A_145, %reduce_max3A_143 : vector<16xi32>
        %reduce_max3A_147 = vector.extract %reduce_max3A_146[15] : i32 from vector<16xi32>
        %mul3A_148 = arith.constant 28 : i32
        %mul3A_149 = arith.muli %add3A_105, %mul3A_148 : i32
        %add3A_150 = arith.addi %mul3A_149, %scan3A_119 : i32
        %swap3A = arith.index_cast %add3A_150 : i32 to index
        %swap3A_151 = memref.load %arg10[%swap3A] : memref<728xi32, #tpu.memory_space<smem>>
        memref.store %reduce_max3A_147, %arg10[%swap3A] : memref<728xi32, #tpu.memory_space<smem>>
        %max3A_152 = arith.maxsi %scan3A_120, %reduce_max3A_147 : i32
        scf.yield %max3A_152 : i32
      }
      %scan3A_111 = arith.constant 28 : i32
      %add3A_112 = arith.constant 3 : i32
      %add3A_113 = arith.addi %mul3A_66, %add3A_112 : i32
      %lt3A_114 = arith.constant 26 : i32
      %lt3A_115 = arith.cmpi slt, %add3A_113, %lt3A_114 : i32
      %convert_element_type3A_116 = arith.extui %lt3A_115 : i1 to i32
      %cond3A_117 = arith.constant 0 : i32
      %cond3A_118 = arith.cmpi ne, %convert_element_type3A_116, %cond3A_117 : i32
      scf.if %cond3A_118 {
        %add3A_119 = arith.constant 3 : i32
        %add3A_120 = arith.addi %mul3A_66, %add3A_119 : i32
        %mul3A_121 = arith.constant 28672 : i32
        %mul3A_122 = arith.muli %add3A_120, %mul3A_121 : i32
        %dma_start3A_123 = arith.constant 1 : i32
        %dma_start3A_124 = arith.constant 0 : i32
        %dma_start3A_125 = tpu.memref_slice %arg6[%dma_start3A_123, %dma_start3A_124] : memref<2x28672xf32, #tpu.memory_space<vmem>> -> memref<1x28672xf32, #tpu.memory_space<vmem>>
        %dma_start3A_126 = tpu.memref_squeeze %dma_start3A_125 : memref<1x28672xf32, #tpu.memory_space<vmem>> -> memref<28672xf32, #tpu.memory_space<vmem>>
        %dma_start3A_127 = tpu.memref_slice %arg2[%add3A, %mul3A_122] : memref<32x745472xf32, #tpu.memory_space<hbm>> -> memref<1x28672xf32, #tpu.memory_space<hbm>>
        %dma_start3A_128 = tpu.memref_squeeze %dma_start3A_127 : memref<1x28672xf32, #tpu.memory_space<hbm>> -> memref<28672xf32, #tpu.memory_space<hbm>>
        %dma_start3A_129 = arith.constant 0 : i32
        %dma_start3A_130 = tpu.memref_slice %arg6[%dma_start3A_123, %dma_start3A_129] : memref<2x28672xf32, #tpu.memory_space<vmem>> -> memref<1x28672xf32, #tpu.memory_space<vmem>>
        %dma_start3A_131 = tpu.memref_squeeze %dma_start3A_130 : memref<1x28672xf32, #tpu.memory_space<vmem>> -> memref<28672xf32, #tpu.memory_space<vmem>>
        %dma_start3A_132 = tpu.memref_slice %arg2[%add3A, %mul3A_122] : memref<32x745472xf32, #tpu.memory_space<hbm>> -> memref<1x28672xf32, #tpu.memory_space<hbm>>
        %dma_start3A_133 = tpu.memref_squeeze %dma_start3A_132 : memref<1x28672xf32, #tpu.memory_space<hbm>> -> memref<28672xf32, #tpu.memory_space<hbm>>
        tpu.enqueue_dma source(%dma_start3A_133 : memref<28672xf32, #tpu.memory_space<hbm>>) target(%dma_start3A_131 : memref<28672xf32, #tpu.memory_space<vmem>>) target_semaphore(%arg12 : memref<!tpu.dma_semaphore, #tpu.memory_space<semaphore_mem>>)
      } else {
      }
      scf.yield %scan3A_110 : i32
    }
    %scan3A_50 = arith.constant 13 : i32
    %shift_right_arithmetic3A = arith.constant 4 : i32
    %shift_right_arithmetic3A_51 = arith.shrsi %scan3A_49, %shift_right_arithmetic3A : i32
    %while3A = arith.constant 0 : i32
    %while3A_52 = arith.constant -1 : i32
    %while3A_53:3 = scf.while (%while3A_63 = %shift_right_arithmetic3A_51, %while3A_64 = %while3A, %while3A_65 = %while3A_52) : (i32, i32, i32) -> (i32, i32, i32) {
      %lt3A = arith.constant 0 : i32
      %lt3A_66 = arith.cmpi slt, %while3A_65, %lt3A : i32
      scf.condition(%lt3A_66) %while3A_63, %while3A_64, %while3A_65 : i32, i32, i32
    } do {
    ^bb0(%while3A_63: i32, %while3A_64: i32, %while3A_65: i32):
      %mul3A_66 = arith.constant 16 : i32
      %mul3A_67 = arith.muli %while3A_63, %mul3A_66 : i32
      %get3A = arith.index_cast %mul3A_67 : i32 to index
      %get3A_68 = tpu.vector_load %arg5[%get3A] {strides = array<i32>} : memref<32768xi32, #tpu.memory_space<vmem>>, vector<16xi32>,
      %rev3A = arith.constant 15 : i32
      %rev3A_69 = vector.broadcast %rev3A : i32 to vector<16xi32>
      %rev3A_70 = tpu.iota {dimensions = array<i32: 0>} : vector<16xi32>
      %rev3A_71 = arith.subi %rev3A_69, %rev3A_70 : vector<16xi32>
      %rev3A_72 = tpu.dynamic_gather %get3A_68[%rev3A_71] in [0] : vector<16xi32>, vector<16xi32> -> vector<16xi32>
      %cumsum3A = arith.constant true
      %cumsum3A_73 = vector.broadcast %cumsum3A : i1 to vector<16xi1>
      %cumsum3A_74 = tpu.scan <sum>, %rev3A_72 masked %cumsum3A_73 : vector<16xi32>, vector<16xi1> -> vector<16xi32>
      %add3A_75 = vector.broadcast %while3A_64 : i32 to vector<16xi32>
      %add3A_76 = arith.addi %cumsum3A_74, %add3A_75 : vector<16xi32>
      %ge3A = arith.constant 100 : i32
      %ge3A_77 = vector.broadcast %ge3A : i32 to vector<16xi32>
      %ge3A_78 = arith.cmpi sge, %add3A_76, %ge3A_77 : vector<16xi32>
      %convert_element_type3A = arith.extui %ge3A_78 : vector<16xi1> to vector<16xi32>
      %reduce_sum3A = arith.constant true
      %reduce_sum3A_79 = vector.broadcast %reduce_sum3A : i1 to vector<16xi1>
      %reduce_sum3A_80 = tpu.scan <sum>, %convert_element_type3A masked %reduce_sum3A_79 : vector<16xi32>, vector<16xi1> -> vector<16xi32>
      %reduce_sum3A_81 = vector.extract %reduce_sum3A_80[15] : i32 from vector<16xi32>
      %gt3A = arith.constant 0 : i32
      %gt3A_82 = arith.cmpi sgt, %reduce_sum3A_81, %gt3A : i32
      %mul3A_83 = arith.constant 16 : i32
      %mul3A_84 = arith.muli %while3A_63, %mul3A_83 : i32
      %add3A_85 = arith.addi %mul3A_84, %reduce_sum3A_81 : i32
      %sub3A_86 = arith.constant 1 : i32
      %sub3A_87 = arith.subi %add3A_85, %sub3A_86 : i32
      %select_n3A = arith.select %gt3A_82, %sub3A_87, %while3A_65 : i32
      %sub3A_88 = arith.constant 1 : i32
      %sub3A_89 = arith.subi %while3A_63, %sub3A_88 : i32
      %reduce_sum3A_90 = arith.constant true
      %reduce_sum3A_91 = vector.broadcast %reduce_sum3A_90 : i1 to vector<16xi1>
      %reduce_sum3A_92 = tpu.scan <sum>, %get3A_68 masked %reduce_sum3A_91 : vector<16xi32>, vector<16xi1> -> vector<16xi32>
      %reduce_sum3A_93 = vector.extract %reduce_sum3A_92[15] : i32 from vector<16xi32>
      %add3A_94 = arith.addi %while3A_64, %reduce_sum3A_93 : i32
      scf.yield %sub3A_89, %add3A_94, %select_n3A : i32, i32, i32
    }
    %sub3A = arith.constant 1 : i32
    %sub3A_54 = arith.subi %while3A_53#2, %sub3A : i32
    %max3A = arith.constant 0 : i32
    %max3A_55 = arith.maxsi %sub3A_54, %max3A : i32
    %scan3A_56 = arith.constant 0 : i32
    %scan3A_57 = arith.constant 0 : i32
    %scan3A_58 = arith.constant 728 : i32
    %scan3A_59 = arith.addi %scan3A_57, %scan3A_58 : i32
    %scan3A_60 = arith.constant 1 : i32
    %scan3A_61 = scf.for %scan3A_63 = %scan3A_57 to %scan3A_59 step %scan3A_60 iter_args(%scan3A_64 = %scan3A_56) -> (i32)  : i32 {
      %get3A = arith.index_cast %scan3A_63 : i32 to index
      %get3A_65 = memref.load %arg10[%get3A] : memref<728xi32, #tpu.memory_space<smem>>
      %ge3A = arith.cmpi sge, %get3A_65, %max3A_55 : i32
      %convert_element_type3A = arith.extui %ge3A : i1 to i32
      %cond3A = arith.constant 0 : i32
      %cond3A_66 = arith.cmpi ne, %convert_element_type3A, %cond3A : i32
      %cond3A_67 = scf.if %cond3A_66 -> (i32) {
        %mul3A_68 = arith.constant 1024 : i32
        %mul3A_69 = arith.muli %scan3A_63, %mul3A_68 : i32
        "tpu.region"() ({
          %run_scoped3A = tpu.sem_alloc : memref<!tpu.dma_semaphore, #tpu.memory_space<semaphore_mem>>
          %dma_start3A_78 = tpu.memref_slice %arg2[%add3A, %mul3A_69] : memref<32x745472xf32, #tpu.memory_space<hbm>> -> memref<1x1024xf32, #tpu.memory_space<hbm>>
          %dma_start3A_79 = tpu.memref_squeeze %dma_start3A_78 : memref<1x1024xf32, #tpu.memory_space<hbm>> -> memref<1024xf32, #tpu.memory_space<hbm>>
          %dma_start3A_80 = tpu.memref_slice %arg2[%add3A, %mul3A_69] : memref<32x745472xf32, #tpu.memory_space<hbm>> -> memref<1x1024xf32, #tpu.memory_space<hbm>>
          %dma_start3A_81 = tpu.memref_squeeze %dma_start3A_80 : memref<1x1024xf32, #tpu.memory_space<hbm>> -> memref<1024xf32, #tpu.memory_space<hbm>>
          tpu.enqueue_dma source(%dma_start3A_81 : memref<1024xf32, #tpu.memory_space<hbm>>) target(%arg7 : memref<1024xf32, #tpu.memory_space<vmem>>) target_semaphore(%run_scoped3A : memref<!tpu.dma_semaphore, #tpu.memory_space<semaphore_mem>>)
          %dma_wait3A = tpu.memref_slice %arg2[%add3A, %mul3A_69] : memref<32x745472xf32, #tpu.memory_space<hbm>> -> memref<1x1024xf32, #tpu.memory_space<hbm>>
          %dma_wait3A_82 = tpu.memref_squeeze %dma_wait3A : memref<1x1024xf32, #tpu.memory_space<hbm>> -> memref<1024xf32, #tpu.memory_space<hbm>>
          %dma_wait3A_83 = tpu.memref_slice %arg2[%add3A, %mul3A_69] : memref<32x745472xf32, #tpu.memory_space<hbm>> -> memref<1x1024xf32, #tpu.memory_space<hbm>>
          %dma_wait3A_84 = tpu.memref_squeeze %dma_wait3A_83 : memref<1x1024xf32, #tpu.memory_space<hbm>> -> memref<1024xf32, #tpu.memory_space<hbm>>
          tpu.wait_dma2 semaphore(%run_scoped3A : memref<!tpu.dma_semaphore, #tpu.memory_space<semaphore_mem>>) src(%dma_wait3A_84 : memref<1024xf32, #tpu.memory_space<hbm>>) dst(%arg7 : memref<1024xf32, #tpu.memory_space<vmem>>)
          tpu.yield
        }) : () -> ()
        %mul3A_70 = arith.constant 1024 : i32
        %mul3A_71 = arith.muli %scan3A_63, %mul3A_70 : i32
        %scan3A_72 = arith.constant 0 : i32
        %scan3A_73 = arith.constant 64 : i32
        %scan3A_74 = arith.addi %scan3A_72, %scan3A_73 : i32
        %scan3A_75 = arith.constant 1 : i32
        %scan3A_76 = scf.for %scan3A_78 = %scan3A_72 to %scan3A_74 step %scan3A_75 iter_args(%scan3A_79 = %scan3A_64) -> (i32)  : i32 {
          %mul3A_80 = arith.constant 16 : i32
          %mul3A_81 = arith.muli %scan3A_78, %mul3A_80 : i32
          %get3A_82 = arith.index_cast %mul3A_81 : i32 to index
          %get3A_83 = tpu.vector_load %arg7[%get3A_82] {strides = array<i32>} : memref<1024xf32, #tpu.memory_space<vmem>>, vector<16xf32>,
          %bitcast_convert_type3A = tpu.bitcast %get3A_83 : vector<16xf32> -> vector<16xi32>
          %shift_right_arithmetic3A_84 = arith.constant 31 : i32
          %shift_right_arithmetic3A_85 = vector.broadcast %shift_right_arithmetic3A_84 : i32 to vector<16xi32>
          %shift_right_arithmetic3A_86 = arith.shrsi %bitcast_convert_type3A, %shift_right_arithmetic3A_85 : vector<16xi32>
          %or3A = arith.constant -2147483648 : i32
          %or3A_87 = vector.broadcast %or3A : i32 to vector<16xi32>
          %or3A_88 = arith.ori %shift_right_arithmetic3A_86, %or3A_87 : vector<16xi32>
          %xor3A = arith.xori %bitcast_convert_type3A, %or3A_88 : vector<16xi32>
          %shift_right_logical3A = arith.constant 17 : i32
          %shift_right_logical3A_89 = vector.broadcast %shift_right_logical3A : i32 to vector<16xi32>
          %shift_right_logical3A_90 = arith.shrui %xor3A, %shift_right_logical3A_89 : vector<16xi32>
          %ge3A_91 = vector.broadcast %max3A_55 : i32 to vector<16xi32>
          %ge3A_92 = arith.cmpi sge, %shift_right_logical3A_90, %ge3A_91 : vector<16xi32>
          %min3A = arith.constant 496 : i32
          %min3A_93 = arith.minsi %scan3A_79, %min3A : i32
          %swap3A = arith.index_cast %min3A_93 : i32 to index
          %swap3A_94 = tpu.vector_load %arg8[%swap3A] masked %ge3A_92 {strides = array<i32>} : memref<512xf32, #tpu.memory_space<vmem>>, vector<16xf32>, vector<16xi1>
          tpu.vector_store %arg8[%swap3A], %get3A_83 masked %ge3A_92 {strides = array<i32>} : memref<512xf32, #tpu.memory_space<vmem>>, vector<16xf32>, vector<16xi1>
          %mul3A_95 = arith.constant 16 : i32
          %mul3A_96 = arith.muli %scan3A_78, %mul3A_95 : i32
          %add3A_97 = arith.addi %mul3A_71, %mul3A_96 : i32
          %add3A_98 = vector.broadcast %add3A_97 : i32 to vector<16xi32>
          %add3A_99 = arith.addi %iota3A, %add3A_98 : vector<16xi32>
          %swap3A_100 = arith.index_cast %min3A_93 : i32 to index
          %swap3A_101 = tpu.vector_load %arg9[%swap3A_100] masked %ge3A_92 {strides = array<i32>} : memref<512xi32, #tpu.memory_space<vmem>>, vector<16xi32>, vector<16xi1>
          tpu.vector_store %arg9[%swap3A_100], %add3A_99 masked %ge3A_92 {strides = array<i32>} : memref<512xi32, #tpu.memory_space<vmem>>, vector<16xi32>, vector<16xi1>
          %convert_element_type3A_102 = arith.extui %ge3A_92 : vector<16xi1> to vector<16xi32>
          %reduce_sum3A = arith.constant true
          %reduce_sum3A_103 = vector.broadcast %reduce_sum3A : i1 to vector<16xi1>
          %reduce_sum3A_104 = tpu.scan <sum>, %convert_element_type3A_102 masked %reduce_sum3A_103 : vector<16xi32>, vector<16xi1> -> vector<16xi32>
          %reduce_sum3A_105 = vector.extract %reduce_sum3A_104[15] : i32 from vector<16xi32>
          %add3A_106 = arith.addi %scan3A_79, %reduce_sum3A_105 : i32
          scf.yield %add3A_106 : i32
        }
        %scan3A_77 = arith.constant 64 : i32
        scf.yield %scan3A_76 : i32
      } else {
        scf.yield %scan3A_64 : i32
      }
      scf.yield %cond3A_67 : i32
    }
    %scan3A_62 = arith.constant 728 : i32
    "tpu.region"() ({
      %run_scoped3A = tpu.sem_alloc : memref<!tpu.dma_semaphore, #tpu.memory_space<semaphore_mem>>
      %dma_start3A_63 = arith.constant 0 : i32
      %dma_start3A_64 = tpu.memref_slice %arg3[%add3A, %dma_start3A_63] : memref<32x512xf32, #tpu.memory_space<hbm>> -> memref<1x512xf32, #tpu.memory_space<hbm>>
      %dma_start3A_65 = tpu.memref_squeeze %dma_start3A_64 : memref<1x512xf32, #tpu.memory_space<hbm>> -> memref<512xf32, #tpu.memory_space<hbm>>
      %dma_start3A_66 = arith.constant 0 : i32
      %dma_start3A_67 = tpu.memref_slice %arg3[%add3A, %dma_start3A_66] : memref<32x512xf32, #tpu.memory_space<hbm>> -> memref<1x512xf32, #tpu.memory_space<hbm>>
      %dma_start3A_68 = tpu.memref_squeeze %dma_start3A_67 : memref<1x512xf32, #tpu.memory_space<hbm>> -> memref<512xf32, #tpu.memory_space<hbm>>
      tpu.enqueue_dma source(%arg8 : memref<512xf32, #tpu.memory_space<vmem>>) target(%dma_start3A_68 : memref<512xf32, #tpu.memory_space<hbm>>) target_semaphore(%run_scoped3A : memref<!tpu.dma_semaphore, #tpu.memory_space<semaphore_mem>>)
      %dma_wait3A = arith.constant 0 : i32
      %dma_wait3A_69 = tpu.memref_slice %arg3[%add3A, %dma_wait3A] : memref<32x512xf32, #tpu.memory_space<hbm>> -> memref<1x512xf32, #tpu.memory_space<hbm>>
      %dma_wait3A_70 = tpu.memref_squeeze %dma_wait3A_69 : memref<1x512xf32, #tpu.memory_space<hbm>> -> memref<512xf32, #tpu.memory_space<hbm>>
      %dma_wait3A_71 = arith.constant 0 : i32
      %dma_wait3A_72 = tpu.memref_slice %arg3[%add3A, %dma_wait3A_71] : memref<32x512xf32, #tpu.memory_space<hbm>> -> memref<1x512xf32, #tpu.memory_space<hbm>>
      %dma_wait3A_73 = tpu.memref_squeeze %dma_wait3A_72 : memref<1x512xf32, #tpu.memory_space<hbm>> -> memref<512xf32, #tpu.memory_space<hbm>>
      tpu.wait_dma2 semaphore(%run_scoped3A : memref<!tpu.dma_semaphore, #tpu.memory_space<semaphore_mem>>) src(%arg8 : memref<512xf32, #tpu.memory_space<vmem>>) dst(%dma_wait3A_73 : memref<512xf32, #tpu.memory_space<hbm>>)
      tpu.yield
    }) : () -> ()
    "tpu.region"() ({
      %run_scoped3A = tpu.sem_alloc : memref<!tpu.dma_semaphore, #tpu.memory_space<semaphore_mem>>
      %dma_start3A_63 = arith.constant 0 : i32
      %dma_start3A_64 = tpu.memref_slice %arg4[%add3A, %dma_start3A_63] : memref<32x512xi32, #tpu.memory_space<hbm>> -> memref<1x512xi32, #tpu.memory_space<hbm>>
      %dma_start3A_65 = tpu.memref_squeeze %dma_start3A_64 : memref<1x512xi32, #tpu.memory_space<hbm>> -> memref<512xi32, #tpu.memory_space<hbm>>
      %dma_start3A_66 = arith.constant 0 : i32
      %dma_start3A_67 = tpu.memref_slice %arg4[%add3A, %dma_start3A_66] : memref<32x512xi32, #tpu.memory_space<hbm>> -> memref<1x512xi32, #tpu.memory_space<hbm>>
      %dma_start3A_68 = tpu.memref_squeeze %dma_start3A_67 : memref<1x512xi32, #tpu.memory_space<hbm>> -> memref<512xi32, #tpu.memory_space<hbm>>
      tpu.enqueue_dma source(%arg9 : memref<512xi32, #tpu.memory_space<vmem>>) target(%dma_start3A_68 : memref<512xi32, #tpu.memory_space<hbm>>) target_semaphore(%run_scoped3A : memref<!tpu.dma_semaphore, #tpu.memory_space<semaphore_mem>>)
      %dma_wait3A = arith.constant 0 : i32
      %dma_wait3A_69 = tpu.memref_slice %arg4[%add3A, %dma_wait3A] : memref<32x512xi32, #tpu.memory_space<hbm>> -> memref<1x512xi32, #tpu.memory_space<hbm>>
      %dma_wait3A_70 = tpu.memref_squeeze %dma_wait3A_69 : memref<1x512xi32, #tpu.memory_space<hbm>> -> memref<512xi32, #tpu.memory_space<hbm>>
      %dma_wait3A_71 = arith.constant 0 : i32
      %dma_wait3A_72 = tpu.memref_slice %arg4[%add3A, %dma_wait3A_71] : memref<32x512xi32, #tpu.memory_space<hbm>> -> memref<1x512xi32, #tpu.memory_space<hbm>>
      %dma_wait3A_73 = tpu.memref_squeeze %dma_wait3A_72 : memref<1x512xi32, #tpu.memory_space<hbm>> -> memref<512xi32, #tpu.memory_space<hbm>>
      tpu.wait_dma2 semaphore(%run_scoped3A : memref<!tpu.dma_semaphore, #tpu.memory_space<semaphore_mem>>) src(%arg9 : memref<512xi32, #tpu.memory_space<vmem>>) dst(%dma_wait3A_73 : memref<512xi32, #tpu.memory_space<hbm>>)
      tpu.yield
    }) : () -> ()
    return
  }
}

#map = affine_map<(d0, d1) -> (0, 0)>
#map1 = affine_map<(d0, d1) -> (0, 0, 0)>
module attributes {stable_mosaic.version = 14 : i64} {
  func.func @_gather_body(%arg0: i32, %arg1: i32, %arg2: memref<262144x24xf32, #tpu.memory_space<hbm>>, %arg3: memref<32x128xi32, #tpu.memory_space<hbm>>, %arg4: memref<32x128x24xf32, #tpu.memory_space<hbm>>, %arg5: memref<128xi32, #tpu.memory_space<vmem>>, %arg6: memref<128x24xf32, #tpu.memory_space<vmem>>, %arg7: memref<!tpu.dma_semaphore, #tpu.memory_space<semaphore_mem>>) attributes {dimension_semantics = [#tpu.dimension_semantics<core_parallel>, #tpu.dimension_semantics<subcore_parallel>], iteration_bounds = array<i64: 2, 16>, scalar_prefetch = 0 : i64, scratch_operands = 3 : i64, tpu.core_type = #tpu.core_type<sc_vector_subcore>, window_params = [{transform_indices = #map}, {transform_indices = #map}, {transform_indices = #map1}]} {
    %mul3A = arith.constant 2 : i32
    %mul3A_0 = arith.muli %arg1, %mul3A : i32
    %add3A = arith.addi %mul3A_0, %arg0 : i32
    "tpu.region"() ({
      %run_scoped3A = tpu.sem_alloc : memref<!tpu.dma_semaphore, #tpu.memory_space<semaphore_mem>>
      %dma_start3A_5 = arith.constant 0 : i32
      %dma_start3A_6 = tpu.memref_slice %arg3[%add3A, %dma_start3A_5] : memref<32x128xi32, #tpu.memory_space<hbm>> -> memref<1x128xi32, #tpu.memory_space<hbm>>
      %dma_start3A_7 = tpu.memref_squeeze %dma_start3A_6 : memref<1x128xi32, #tpu.memory_space<hbm>> -> memref<128xi32, #tpu.memory_space<hbm>>
      %dma_start3A_8 = arith.constant 0 : i32
      %dma_start3A_9 = tpu.memref_slice %arg3[%add3A, %dma_start3A_8] : memref<32x128xi32, #tpu.memory_space<hbm>> -> memref<1x128xi32, #tpu.memory_space<hbm>>
      %dma_start3A_10 = tpu.memref_squeeze %dma_start3A_9 : memref<1x128xi32, #tpu.memory_space<hbm>> -> memref<128xi32, #tpu.memory_space<hbm>>
      tpu.enqueue_dma source(%dma_start3A_10 : memref<128xi32, #tpu.memory_space<hbm>>) target(%arg5 : memref<128xi32, #tpu.memory_space<vmem>>) target_semaphore(%run_scoped3A : memref<!tpu.dma_semaphore, #tpu.memory_space<semaphore_mem>>)
      %dma_wait3A_11 = arith.constant 0 : i32
      %dma_wait3A_12 = tpu.memref_slice %arg3[%add3A, %dma_wait3A_11] : memref<32x128xi32, #tpu.memory_space<hbm>> -> memref<1x128xi32, #tpu.memory_space<hbm>>
      %dma_wait3A_13 = tpu.memref_squeeze %dma_wait3A_12 : memref<1x128xi32, #tpu.memory_space<hbm>> -> memref<128xi32, #tpu.memory_space<hbm>>
      %dma_wait3A_14 = arith.constant 0 : i32
      %dma_wait3A_15 = tpu.memref_slice %arg3[%add3A, %dma_wait3A_14] : memref<32x128xi32, #tpu.memory_space<hbm>> -> memref<1x128xi32, #tpu.memory_space<hbm>>
      %dma_wait3A_16 = tpu.memref_squeeze %dma_wait3A_15 : memref<1x128xi32, #tpu.memory_space<hbm>> -> memref<128xi32, #tpu.memory_space<hbm>>
      tpu.wait_dma2 semaphore(%run_scoped3A : memref<!tpu.dma_semaphore, #tpu.memory_space<semaphore_mem>>) src(%dma_wait3A_16 : memref<128xi32, #tpu.memory_space<hbm>>) dst(%arg5 : memref<128xi32, #tpu.memory_space<vmem>>)
      tpu.yield
    }) : () -> ()
    %dma_start3A = arith.constant 0 : i32
    %dma_start3A_1 = arith.constant 0 : i32
    %dma_start3A_2 = tpu.memref_slice %arg2[%dma_start3A, %dma_start3A_1] : memref<262144x24xf32, #tpu.memory_space<hbm>> -> memref<262144x24xf32, #tpu.memory_space<hbm>>
    tpu.enqueue_indirect_dma source(%dma_start3A_2 : memref<262144x24xf32, #tpu.memory_space<hbm>>) target(%arg6 : memref<128x24xf32, #tpu.memory_space<vmem>>) offsets(%arg5 : memref<128xi32, #tpu.memory_space<vmem>>) semaphore(%arg7 : memref<!tpu.dma_semaphore, #tpu.memory_space<semaphore_mem>>)
    %dma_wait3A = arith.constant 0 : i32
    %dma_wait3A_3 = arith.constant 0 : i32
    %dma_wait3A_4 = tpu.memref_slice %arg2[%dma_wait3A, %dma_wait3A_3] : memref<262144x24xf32, #tpu.memory_space<hbm>> -> memref<262144x24xf32, #tpu.memory_space<hbm>>
    tpu.wait_indirect_dma semaphore(%arg7 : memref<!tpu.dma_semaphore, #tpu.memory_space<semaphore_mem>>) src(%dma_wait3A_4 : memref<262144x24xf32, #tpu.memory_space<hbm>>) dst(%arg6 : memref<128x24xf32, #tpu.memory_space<vmem>>)
    "tpu.region"() ({
      %run_scoped3A = tpu.sem_alloc : memref<!tpu.dma_semaphore, #tpu.memory_space<semaphore_mem>>
      %dma_start3A_5 = arith.constant 0 : i32
      %dma_start3A_6 = arith.constant 0 : i32
      %dma_start3A_7 = tpu.memref_slice %arg4[%add3A, %dma_start3A_5, %dma_start3A_6] : memref<32x128x24xf32, #tpu.memory_space<hbm>> -> memref<1x128x24xf32, #tpu.memory_space<hbm>>
      %dma_start3A_8 = tpu.memref_squeeze %dma_start3A_7 : memref<1x128x24xf32, #tpu.memory_space<hbm>> -> memref<128x24xf32, #tpu.memory_space<hbm>>
      %dma_start3A_9 = arith.constant 0 : i32
      %dma_start3A_10 = arith.constant 0 : i32
      %dma_start3A_11 = tpu.memref_slice %arg4[%add3A, %dma_start3A_9, %dma_start3A_10] : memref<32x128x24xf32, #tpu.memory_space<hbm>> -> memref<1x128x24xf32, #tpu.memory_space<hbm>>
      %dma_start3A_12 = tpu.memref_squeeze %dma_start3A_11 : memref<1x128x24xf32, #tpu.memory_space<hbm>> -> memref<128x24xf32, #tpu.memory_space<hbm>>
      tpu.enqueue_dma source(%arg6 : memref<128x24xf32, #tpu.memory_space<vmem>>) target(%dma_start3A_12 : memref<128x24xf32, #tpu.memory_space<hbm>>) target_semaphore(%run_scoped3A : memref<!tpu.dma_semaphore, #tpu.memory_space<semaphore_mem>>)
      %dma_wait3A_13 = arith.constant 0 : i32
      %dma_wait3A_14 = arith.constant 0 : i32
      %dma_wait3A_15 = tpu.memref_slice %arg4[%add3A, %dma_wait3A_13, %dma_wait3A_14] : memref<32x128x24xf32, #tpu.memory_space<hbm>> -> memref<1x128x24xf32, #tpu.memory_space<hbm>>
      %dma_wait3A_16 = tpu.memref_squeeze %dma_wait3A_15 : memref<1x128x24xf32, #tpu.memory_space<hbm>> -> memref<128x24xf32, #tpu.memory_space<hbm>>
      %dma_wait3A_17 = arith.constant 0 : i32
      %dma_wait3A_18 = arith.constant 0 : i32
      %dma_wait3A_19 = tpu.memref_slice %arg4[%add3A, %dma_wait3A_17, %dma_wait3A_18] : memref<32x128x24xf32, #tpu.memory_space<hbm>> -> memref<1x128x24xf32, #tpu.memory_space<hbm>>
      %dma_wait3A_20 = tpu.memref_squeeze %dma_wait3A_19 : memref<1x128x24xf32, #tpu.memory_space<hbm>> -> memref<128x24xf32, #tpu.memory_space<hbm>>
      tpu.wait_dma2 semaphore(%run_scoped3A : memref<!tpu.dma_semaphore, #tpu.memory_space<semaphore_mem>>) src(%arg6 : memref<128x24xf32, #tpu.memory_space<vmem>>) dst(%dma_wait3A_20 : memref<128x24xf32, #tpu.memory_space<hbm>>)
      tpu.yield
    }) : () -> ()
    return
  }
}

</mosaic_0001>

<sc_bundles>
// kernel: gather_offload_async_start
scs
__scs_entry_jumppad:
0x0: {  	(pc) =	sbr.rel $0x88, $3  }
0x1: {  	(tag) =	ssettag $0x0;
	lr =	simm.s32 $0x1  }
0x2: {  	[smem:$0x3F9E] =	sst lr;
	_ =	strace $0xD0000000  }
0x3: {  	_ = 	snop  }
0x4: {  	_ = 	snop  }
0x5: {  	_ = 	snop  }
0x6: {  	_ = 	snop  }
0x7: {  	_ = 	snop  }
__scs_overlays_trampoline_lowered:
0x8: {  	[smem:$0x3FAD] =	sst s0  }
0x9: {  	[smem:$0x3FAE] =	sst s1  }
0xa: {  	[smem:$0x3FAF] =	sst s2  }
0xb: {  	[smem:$0x3FB0] =	sst s3  }
0xc: {  	[smem:$0x3FB1] =	sst s4  }
0xd: {  	[smem:$0x3FB2] =	sst s5  }
0xe: {  	[smem:$0x3FB3] =	sst s6  }
0xf: {  	[smem:$0x3FB4] =	sst s7  }
0x10: {  	[smem:$0x3FB5] =	sst s8  }
0x11: {  	[smem:$0x3FB6] =	sst s9;
	s0 =	simm.s32 @!p0 $0x0  }
0x12: {  	s1 =	sld [smem:$0x3F9C];
	s0 =	simm.s32 @p0 $0x1  }
0x13: {  	[smem:$0x3FB7] =	sst s0;
	s0 =	simm.s32 @!p1 $0x0  }
0x14: {  	s2 =	sld [smem:$0x3F9B];
	s0 =	simm.s32 @p1 $0x1  }
0x15: {  	[smem:$0x3FB8] =	sst s0;
	s0 =	simm.s32 @!p2 $0x0  }
0x16: {  	s3 =	sld [smem:$0x3FDB];
	s0 =	simm.s32 @p2 $0x1  }
0x17: {  	s4 =	simm.s32 $0x1BF5;
	[smem:$0x3FBA] =	sst s0  }
0x18: {  	s0 =	sld [smem:$0x3F9D];
	_ =	swait.ge [sflag:s4], $0x0  }
0x19: {  	s7 =	sld [smem:$0x3F9E]  }
0x1a: {  	s8 =	sadd.s32 $0xFFFFE003, lr  }
0x1b: {  	s9 =	sadd.s32 $0xFFFFFEF7, lr;
	s5 =	simm.s32 $0xFFFFFFFF;
	p2 =	slt.u32 s8, $0xFFFFF086  }
0x1c: {  	p1 =	slt.u32 s9, $0xF7A;
	s5 =	simm.s32 @!p2 $0x0  }
0x1d: {  	s5 =	simm.s32 @p1 $0x1;
	p0 =	seq.s32 s7, s2  }
0x1e: {  	s7 =	smul.u32 @!p0 $0xF7A, s2;
	p2 =	seq.s32 @!p0 s5, $0x0  }
0x1f: {  	s9 =	smul.u32 $0xF7A, s1;
	s8 =	simm.s32 @!p0 $0x1BF5;
	p2 =	por !p2, p0  }
0x20: {  	[sflag:s8] =	ssyncset.s32 @!p0 $0xFFFFF086;
	s6 =	sadd.s32 @!p0 s3, s7;
	s7 =	simm.s32 @!p0 $0x108  }
0x21: {  	s3 =	sadd.s32 s3, s9;
	s6 =	sadd.s32 @!p0 $0x88, s6;
	s7 =	simm.s32 @p2 $0x1082  }
0x22: {  	[simem:s7], [sflag:s8] =	dma.local @!p0 [hbm:s6], $0xF7A  }
0x23: {  	s9 =	sor.u32 $0xD0000000, s2;
	s6 =	simm.s32 $0x108;
	_ =	swait.ge @!p0 [sflag:s8], $0x0  }
0x24: {  	s3 =	sadd.s32 $0x88, s3;
	s6 =	simm.s32 @!p1 $0x1082;
	[sflag:s4] =	ssyncset.s32 $0xFFFFF086  }
0x25: {  	[simem:s6], [sflag:s4] =	dma.local [hbm:s3], $0xF7A  }
0x26: {  	[smem:$0x3F9E] =	sst s1;
	(tag) =	ssettag s2;
	_ =	strace s9  }
0x27: {  	s1 =	sld [smem:$0x3FAE]  }
0x28: {  	s2 =	sld [smem:$0x3FAF]  }
0x29: {  	s4 =	sld [smem:$0x3FB1]  }
0x2a: {  	p0 =	seq.s32 s5, $0x0;
	s5 =	sld [smem:$0x3FB2]  }
0x2b: {  	s6 =	sld [smem:$0x3FB3]  }
0x2c: {  	s7 =	sld [smem:$0x3FB4]  }
0x2d: {  	s3 =	simm.s32 $0x108;
	s8 =	sld [smem:$0x3FB5]  }
0x2e: {  	s3 =	simm.s32 @!p0 $0x1082;
	s9 =	sld [smem:$0x3FB6]  }
0x2f: {  	lr =	sadd.s32 s0, s3;
	s0 =	sld [smem:$0x3FAD]  }
0x30: {  	s3 =	sld [smem:$0x3FB0]  }
0x31: {  	[smem:$0x3FB9] =	sst s10  }
0x32: {  	s10 =	sld [smem:$0x3FB7];
	_ =	sdelay $0x3  }
0x33: {  	p0 =	seq.s32 s10, $0x1;
	s10 =	sld [smem:$0x3FB9];
	_ =	sdelay $0x3  }
0x34: {  	[smem:$0x3FB9] =	sst s10  }
0x35: {  	s10 =	sld [smem:$0x3FB8];
	_ =	sdelay $0x3  }
0x36: {  	p1 =	seq.s32 s10, $0x1;
	s10 =	sld [smem:$0x3FB9];
	_ =	sdelay $0x3  }
0x37: {  	[smem:$0x3FB9] =	sst s10  }
0x38: {  	s10 =	sld [smem:$0x3FBA]  }
0x39: {  	_ = 	snop;
	(pc) =	sbr.ind lr, $3  }
0x3a: {  	_ = 	snop  }
0x3b: {  	_ = 	snop  }
0x3c: {  	p2 =	seq.s32 s10, $0x1;
	s10 =	sld [smem:$0x3FB9]  }
0x3d: {  	_ =	shalt  }
0x3e: {  	_ =	shalt  }
0x3f: {  	_ =	shalt  }
0x40: {  	_ =	shalt  }
0x41: {  	_ =	shalt  }
0x42: {  	_ =	shalt  }
0x43: {  	_ =	shalt  }
0x44: {  	_ =	shalt  }
0x45: {  	_ =	shalt  }
0x46: {  	_ =	shalt  }
0x47: {  	_ =	shalt  }
0x48: {  	_ =	shalt  }
0x49: {  	_ =	shalt  }
0x4a: {  	_ =	shalt  }
0x4b: {  	_ =	shalt  }
0x4c: {  	_ =	shalt  }
0x4d: {  	_ =	shalt  }
0x4e: {  	_ =	shalt  }
0x4f: {  	_ =	shalt  }
0x50: {  	_ =	shalt  }
0x51: {  	_ =	shalt  }
0x52: {  	_ =	shalt  }
0x53: {  	_ =	shalt  }
0x54: {  	_ =	shalt  }
0x55: {  	_ =	shalt  }
0x56: {  	_ =	shalt  }
0x57: {  	_ =	shalt  }
0x58: {  	_ =	shalt  }
0x59: {  	_ =	shalt  }
0x5a: {  	_ =	shalt  }
0x5b: {  	_ =	shalt  }
0x5c: {  	_ =	shalt  }
0x5d: {  	_ =	shalt  }
0x5e: {  	_ =	shalt  }
0x5f: {  	_ =	shalt  }
0x60: {  	_ =	shalt  }
0x61: {  	_ =	shalt  }
0x62: {  	_ =	shalt  }
0x63: {  	_ =	shalt  }
0x64: {  	_ =	shalt  }
0x65: {  	_ =	shalt  }
0x66: {  	_ =	shalt  }
0x67: {  	_ =	shalt  }
0x68: {  	_ =	shalt  }
0x69: {  	_ =	shalt  }
0x6a: {  	_ =	shalt  }
0x6b: {  	_ =	shalt  }
0x6c: {  	_ =	shalt  }
0x6d: {  	_ =	shalt  }
0x6e: {  	_ =	shalt  }
0x6f: {  	_ =	shalt  }
0x70: {  	_ =	shalt  }
0x71: {  	_ =	shalt  }
0x72: {  	_ =	shalt  }
0x73: {  	_ =	shalt  }
0x74: {  	_ =	shalt  }
0x75: {  	_ =	shalt  }
0x76: {  	_ =	shalt  }
0x77: {  	_ =	shalt  }
0x78: {  	_ =	shalt  }
0x79: {  	_ =	shalt  }
0x7a: {  	_ =	shalt  }
0x7b: {  	_ =	shalt  }
0x7c: {  	_ =	shalt  }
0x7d: {  	_ =	shalt  }
0x7e: {  	_ =	shalt  }
0x7f: {  	_ =	shalt  }
0x80: {  	_ =	shalt  }
0x81: {  	_ =	shalt  }
0x82: {  	_ =	shalt  }
0x83: {  	_ =	shalt  }
0x84: {  	_ =	shalt  }
0x85: {  	_ =	shalt  }
0x86: {  	_ =	shalt  }
0x87: {  	_ =	shalt  }
.Lfunc_end0:
.L_simem_size_0:
called_computation_lowered:
.L_overlay_start_0:
0x88: {  	s2 =	sld [smem:$0x3FD9]  }
0x89: {  	s3 =	sld [smem:$0x3FFE];
	_ =	sdelay $0x1  }
0x8a: {  	s1 =	srdreg.scid  }
0x8b: {  	s0 =	sand.u32 $0x1, s1  }
0x8c: {  	s14 =	sshll.u32 s0, $0xA;
	s2 =	sadd.s32 s3, s2  }
0x8d: {  	s2 =	sadd.s32 s2, s14  }
0x8e: {  	[smem:$0x3FC5] =	sst s2  }
0x8f: {  	_ = 	snop  }
0x90: {  	s2 =	sld [smem:$0x3FD0];
	_ =	sdelay $0x2  }
0x91: {  	s15 =	simm.s32 $0xA;
	s4 =	simm.s32 $0x10  }
0x92: {  	[smem:s4], [sflag:s15] =	dma.local [hbm:s2], $0x1  }
0x93: {  	_ =	swait.eq [sflag:s15], $0x1  }
0x94: {  	[sflag:s15] =	ssyncset.done $0x0  }
0x95: {  	s16 =	sld [smem:$0x10];
	[sflag:s15] =	ssyncadd.s32 $0xFFFFFFFF  }
0x96: {  	s17 =	sld [smem:$0x11];
	(tm) =	ssettm $0x1  }
0x97: {  	s18 =	sld [smem:$0x3FFB];
	_ =	sdelay $0x3  }
0x98: {  	_ =	strace s18  }
0x99: {  	s4 =	sld [smem:$0x3FFC];
	_ =	sdelay $0x3  }
0x9a: {  	_ =	strace s4  }
0x9b: {  	s4 =	sld [smem:$0x3FFD];
	_ =	sdelay $0x3  }
0x9c: {  	_ =	strace s4  }
0x9d: {  	_ =	strace $0x8FFFFFFF  }
0x9e: {  	s19 =	sld [smem:$0x3FDB];
	_ =	sdelay $0x1  }
0x9f: {  	s5 =	simm.s32 $_scs_section_size  }
0xa0: {  	s6 =	simm.s32 $_size__tile_overlayer_lowered;
	s7 =	simm.s32 $_tile_overlayer_lowered  }
0xa1: {  	s22 =	simm.s32 $0x1BFF;
	s21 =	sshll.u32 s7, $0x1;
	s4 =	sadd.s32 s5, s19  }
0xa2: {  	s8 =	simm.s32 $0x0;
	s20 =	sshll.u32 s6, $0x1;
	s6 =	sadd.s32 s21, s4  }
0xa3: {  	[timem:s8], [sflag:s22] =	dma.local [hbm:s6], s20  }
0xa4: {  	_ =	swait.ge [sflag:s22], s20  }
0xa5: {  	s5 =	ssub.s32 $0x0, s20;
	[sflag:s22] =	ssyncset.done $0x0  }
0xa6: {  	[sflag:s22] =	ssyncadd.s32 s5;
	_ =	sdelay $0x1  }
0xa7: {  	s23 =	simm.s32 $0x1B8B  }
0xa8: {  	_ =	swait.ge [sflag:s23], $0x1  }
0xa9: {  	[sflag:s23] =	ssyncset.done $0x0  }
0xaa: {  	s25 =	simm.s32 $0x1B8E;
	s24 =	sld [smem:$0x3FFE];
	[sflag:s23] =	ssyncadd.s32 $0xFFFFFFFF  }
0xab: {  	s26 =	simm.s32 $execute0_lowered;
	[smem:$0x3FD2] =	sst s25  }
0xac: {  	s6 =	sshll.u32 s26, $0x1;
	_ =	strace $0x80000049;
	[dreg:$0x1] =	wrdreg $0xFFFFFFFF  }
0xad: {  	s28 =	simm.s32 $_size_execute0_lowered;
	s4 =	sadd.s32 s4, s6;
	[dreg:$0x0] =	wrdreg $0x0  }
0xae: {  	s6 =	sshll.u32 s28, $0x1;
	[dreg:$0x2] =	wrdreg s4  }
0xaf: {  	[dreg:$0x3] =	wrdreg s6  }
0xb0: {  	[dreg:$0x4] =	wrdreg $0xC0  }
0xb1: {  	_ =	task [dreg:s8], $0x5FFFF  }
0xb2: {  	[dreg:$0x1] =	wrdreg $0xFFFFFFFF  }
0xb3: {  	[dreg:$0x0] =	wrdreg $0x60  }
0xb4: {  	[dreg:$0x2] =	wrdreg s24  }
0xb5: {  	[dreg:$0x3] =	wrdreg s17  }
0xb6: {  	[dreg:$0x4] =	wrdreg s16  }
0xb7: {  	[dreg:$0x5] =	wrdreg $0x9  }
0xb8: {  	_ =	task.clear_ibuf [dreg:s8], $0x6FFFF;
	_ =	strace $0x90000049  }
0xb9: {  	s29 =	simm.s32 $0x9;
	_ =	strace $0x8000004B  }
0xba: {  	_ =	swait.ge [sflag:s29], $0x1  }
0xbb: {  	[sflag:s29] =	ssyncadd.s32 $0xFFFFFFFF  }
0xbc: {  	_ =	strace $0x9000004B  }
0xbd: {  	_ =	sfence  }
0xbe: {  	s30 =	sld [smem:$0x0];
	_ =	sdelay $0x2  }
0xbf: {  	s31 =	sshll.u32 s1, $0xD;
	s1 =	sshrl.u32 s1, $0x2  }
0xc0: {  	s3 =	sand.u32 $0x4000, s31;
	s1 =	sadd.s32 s1, s30  }
0xc1: {  	s0 =	sor.u32 s3, s0;
	s1 =	sshll.u32 s1, $0x11  }
0xc2: {  	s0 =	sor.u32 s1, s0  }
0xc3: {  	s0 =	sadd.s32 $0x8F2B, s0  }
0xc4: {  	[sflag:s0] =	ssyncadd.remote.s32 $0x1  }
0xc5: {  	_ =	sfence.sel $0xFFFF  }
0xc6: {  	[dreg:$0x0] =	wrdreg $0xFFFFFFFF;
	(pc) =	sbr.abs _section_cstart, $3  }
0xc7: {  	[dreg:$0x1] =	wrdreg $0xFFFFFFFF  }
0xc8: {  	_ =	task.clear_ibuf [dreg:s8], $0x2FFFF;
	_ =	strace $0x9FFFFFFF  }
0xc9: {  	(tm) =	ssettm $0x7FFFFFFF  }
tec
execute0_lowered:
.L_overlay_start_1:
0x0: {  	(tag) =	ssettag $0x1  }
0x1: {  	s8 =	rddreg [dreg:$0x0]  }
0x2: {  	s2 =	rddreg [dreg:$0x1]  }
0x3: {  	s0 =	stileid.u32;
	s1 =	srdreg.scid  }
0x4: {  	s3 =	rddreg [dreg:$0x2];
	s9 =	simm.s32 $0x1;
	s10 =	simm.s32 $0x3  }
0x5: {  	s13 =	simm.s32 $0x0;
	s4 =	sand.u32 $0x1, s1;
	s5 =	sshll.u32 s0, $0x1  }
0x6: {  	s12 =	simm.s32 $0x0;
	s1 =	rddreg [dreg:$0x3];
	s6 =	sor.u32 s5, s4  }
0x7: {  	_ =	strace $0x8000004A;
	s8 =	sadd.s32 $0x800, s8;
	s4 =	smul.u32 $0x50, s6  }
0x8: {  	s5 =	simm.s32 $0x1;
	p0 =	slt.u32 s6, $0x9;
	s6 =	simm.s32 $0xA00  }
.Ltmp0:
0x9: {  	s6 =	simm.s32 @!p0 $0x0;
	s7 =	ssub.s32 $0xC80, s4;
	(pc) =	sbr.rel .LBB2_1-.Ltmp0, $4  }
0xa: {  	s9 =	simm.s32 @!p0 $0x0;
	p0 =	sne.s32 s7, s6;
	s7 =	simm.s32 $0x1  }
0xb: {  	[sflag:s5] =	ssyncpa.u1 $0x0;
	s6 =	simm.s32 $0x2;
	s7 =	simm.s32 @!p0 $0x0  }
0xc: {  	s11 =	smov.u32 s4;
	[sflag:s6] =	ssyncpa.u1 $0x0;
	s7 =	sadd.s32 s9, s7  }
0xd: {  	vm0 =	vmmov $0xffff;
	[sflag:s10] =	ssyncpa.u1 $0x0;
	s10 =	simm.s32 $0x0;
	s9 =	sadd.s32 $0x1, s7  }
.LBB2_4:
0xe: {  	vm1 =	veq.s32 v0, $0x80000000;
	v63 =	vand.u32 $0x1F, v0;
	v2 =	vand.u32 $0x1FF, v2  }
0xf: {  	v0 =	vsel vm1, $0xFFFFFFFF, v63;
	v2 =	vsel vm1, $0xFFFFFFFF, v2  }
0x10: {  	v3 =	vshll.u32 v0, $0x9;
	v4 =	vshll.u32 v2, $0x3  }
0x11: {  	v0 =	vshll.u32 v0, $0x7;
	v3 =	vand.u32 $0xFFFFF000, v3;
	v4 =	vand.u32 $0xFFFFFC00, v4  }
0x12: {  	v0 =	vand.u32 $0x380, v0;
	v3 =	vadd.s32 v3, v4  }
0x13: {  	v2 =	vand.u32 $0x7F, v2;
	v0 =	vor.u32 v0, v3  }
0x14: {  	v0 =	vor.u32 v2, v0;
	_ =	sdelay $0x1  }
0x15: {  	(ifvalue) =	ssetifvalue $0x7FFFFFFF;
	s15 =	sadd.s32 $0x10, s15  }
0x16: {  	[tilespmem:s15], [sflag:$0x1] =	stream.indirect_vreg.gather [hbm4b:s8+s10], $0x1, v1, vm0, $0x4038;
	[tilespmem:$0x140] =	vst v63  }
0x17: {  	(ifvalue) =	ssetifvalue $0x7FFFFFFF;
	s15 =	sadd.s32 $0x10, s15  }
0x18: {  	[tilespmem:s15], [sflag:$0x1] =	stream.indirect_vreg.gather [hbm4b:s8+s10], $0x1, v0, vm0, $0x4038;
	[tilespmem:$0x140] =	vst v63  }
0x19: {  	_ =	swait.ge [sflag:s5], $0x50  }
0x1a: {  	s30 =	sshrl.u32 s13, $0x3;
	[sflag:s5] =	ssyncset.done $0x0  }
0x1b: {  	s31 =	sand.u32 $0x7, s13;
	s15 =	sadd.s32 s3, s30;
	[sflag:s5] =	ssyncadd.s32 $0xFFFFFFB0  }
0x1c: {  	[hbm4b:s15+s31] =	stream.linear.scatter [tilespmem:s14], [sflag:$0x3], $0x50, $0x38;
	[tilespmem:$0x140] =	vst v63  }
.LBB2_5:
0x1d: {  	s15 =	sadd.s32 $0xA00, s11  }
0x1e: {  	p1 =	sgt.s32 s15, $0xC7F  }
0x1f: {  	s15 =	smov.u32 @p1 s4;
	p1 =	sne.s32 s12, s9  }
.Ltmp1:
0x20: {  	p0 =	slt.u32 s12, $0x2;
	(pc) =	sbr.rel @!p1 .LBB2_6-.Ltmp1, $4  }
0x21: {  	s14 =	simm.s32 @!p0 $0x3  }
0x22: {  	_ =	swait.ge @!p0 [sflag:s14], $0x50  }
0x23: {  	s16 =	sadd.s32 $0x1, s12;
	s13 =	smov.u32 s11;
	[sflag:s14] =	ssyncset.done @!p0 $0x0  }
0x24: {  	s12 =	smov.u32 s16;
	s11 =	smov.u32 s15;
	[sflag:s14] =	ssyncadd.s32 @!p0 $0xFFFFFFB0  }
.LBB2_1:
0x25: {  	p0 =	sge.u32 s12, s7  }
0x26: {  	s14 =	sxor.u32 @!p0 $0x1, s12  }
0x27: {  	s14 =	smul.u32 @!p0 $0x140, s14  }
0x28: {  	s31 =	sadd.s32 $0xFFFFFFFF, s12;
	s15 =	sshrl.u32 @!p0 s11, $0x3  }
0x29: {  	s16 =	sand.u32 @!p0 $0x7, s11;
	s15 =	sadd.s32 @!p0 s2, s15;
	s14 =	sshra.s32 @!p0 s14, $0x2  }
0x2a: {  	[tilespmem:s14], [sflag:$0x2] =	stream.linear.gather @!p0 [hbm4b:s15+s16], $0x50, $0x38;
	[tilespmem:$0x140] =	vst v63  }
0x2b: {  	p0 =	sge.u32 s31, s7  }
.Ltmp2:
0x2c: {  	_ = 	snop;
	(pc) =	sbr.rel @p0 .LBB2_5-.Ltmp2, $1  }
0x2d: {  	_ =	sdelay $0x3  }
0x2e: {  	s14 =	sand.u32 $0x1, s12  }
0x2f: {  	_ =	swait.ge [sflag:s6], $0x50;
	p0 =	seq.s32 s14, $0x1;
	s14 =	simm.s32 $0x50  }
0x30: {  	[sflag:s6] =	ssyncset.done $0x0;
	s14 =	simm.s32 @!p0 $0x0  }
0x31: {  	[sflag:s6] =	ssyncadd.s32 $0xFFFFFFB0;
	(ifvalue) =	ssetifvalue $0x7FFFFFFF;
	v0 =	vld.msk [tilespmem:s14+$0x0 ss:$0x1], $0xffff;
	_ =	sdelay $0x3  }
0x32: {  	s15 =	sadd.s32 $0x10, s14  }
0x33: {  	v2 =	vld.msk [tilespmem:s15+$0x0 ss:$0x1], $0xffff;
	v1 =	vshrl.u32 v0, $0x5  }
0x34: {  	vm1 =	veq.s32 v0, $0x80000000;
	v0 =	vand.u32 $0x1F, v0;
	v1 =	vand.u32 $0x1FF, v1  }
0x35: {  	v0 =	vsel vm1, $0xFFFFFFFF, v0;
	v1 =	vsel vm1, $0xFFFFFFFF, v1  }
0x36: {  	v3 =	vshll.u32 v0, $0x9;
	v4 =	vshll.u32 v1, $0x3  }
0x37: {  	v0 =	vshll.u32 v0, $0x7;
	v3 =	vand.u32 $0xFFFFF000, v3;
	v4 =	vand.u32 $0xFFFFFC00, v4  }
0x38: {  	vm1 =	veq.s32 v2, $0x80000000;
	v0 =	vand.u32 $0x380, v0;
	v3 =	vadd.s32 v3, v4  }
0x39: {  	v1 =	vand.u32 $0x7F, v1;
	v0 =	vor.u32 v0, v3;
	v3 =	vshrl.u32 v2, $0x5  }
0x3a: {  	s15 =	sadd.s32 $0x10, s15;
	v2 =	vand.u32 $0x1F, v2;
	v1 =	vor.u32 v1, v0;
	v3 =	vand.u32 $0x1FF, v3  }
0x3b: {  	v0 =	vld.msk [tilespmem:s15+$0x0 ss:$0x1], $0xffff;
	v2 =	vsel vm1, $0xFFFFFFFF, v2;
	v3 =	vsel vm1, $0xFFFFFFFF, v3  }
0x3c: {  	v63 =	vshll.u32 v2, $0x9;
	v5 =	vshll.u32 v3, $0x3  }
0x3d: {  	v2 =	vshll.u32 v2, $0x7;
	v4 =	vand.u32 $0xFFFFF000, v63;
	v5 =	vand.u32 $0xFFFFFC00, v5  }
0x3e: {  	s14 =	sor.u32 $0xA0, s14;
	(ifvalue) =	ssetifvalue $0x7FFFFFFF;
	v2 =	vand.u32 $0x380, v2;
	v4 =	vadd.s32 v4, v5  }
0x3f: {  	[tilespmem:s14], [sflag:$0x1] =	stream.indirect_vreg.gather [hbm4b:s8+s10], $0x1, v1, vm0, $0x4038;
	v1 =	vand.u32 $0x7F, v3;
	v3 =	vor.u32 v2, v4;
	[tilespmem:$0x140] =	vst v63  }
0x40: {  	s16 =	simm.s32 $0x20;
	s17 =	sadd.s32 $0x10, s15;
	s15 =	smov.u32 s14;
	v2 =	vshrl.u32 v0, $0x5;
	v1 =	vor.u32 v1, v3  }
.LBB2_3:
0x41: {  	s16 =	sadd.s32 $0x10, s16;
	vm1 =	veq.s32 v0, $0x80000000;
	v3 =	vand.u32 $0x1F, v0;
	v0 =	vld.msk [tilespmem:s17+$0x0 ss:$0x1], $0xffff;
	v2 =	vand.u32 $0x1FF, v2  }
0x42: {  	p0 =	slt.u32 s16, $0x40;
	v3 =	vsel vm1, $0xFFFFFFFF, v3;
	v2 =	vsel vm1, $0xFFFFFFFF, v2  }
.Ltmp3:
0x43: {  	v4 =	vshll.u32 v3, $0x9;
	v5 =	vshll.u32 v2, $0x3;
	(pc) =	sbr.rel @p0 .LBB2_3-.Ltmp3, $4  }
0x44: {  	s15 =	sadd.s32 $0x10, s15;
	v3 =	vshll.u32 v3, $0x7;
	v4 =	vand.u32 $0xFFFFF000, v4;
	v5 =	vand.u32 $0xFFFFFC00, v5;
	(ifvalue) =	ssetifvalue $0x7FFFFFFF  }
0x45: {  	v3 =	vand.u32 $0x380, v3;
	v4 =	vadd.s32 v4, v5;
	[tilespmem:s15], [sflag:$0x1] =	stream.indirect_vreg.gather [hbm4b:s8+s10], $0x1, v1, vm0, $0x4038;
	[tilespmem:$0x140] =	vst v63  }
0x46: {  	v1 =	vand.u32 $0x7F, v2;
	v3 =	vor.u32 v3, v4  }
0x47: {  	s17 =	sadd.s32 $0x10, s17;
	v2 =	vshrl.u32 v0, $0x5;
	v1 =	vor.u32 v1, v3  }
.Ltmp4:
0x48: {  	_ = 	snop;
	(pc) =	sbr.rel .LBB2_4-.Ltmp4, $1  }
0x49: {  	_ =	sdelay $0x3  }
.LBB2_6:
0x4a: {  	_ =	sfence.sel $0x180000  }
0x4b: {  	s2 =	simm.s32 $0x2;
	[bflag:$0x0] =	sbarrier.arrive $0xFFFF  }
0x4c: {  	s30 =	simm.s32 $0x3;
	[sflag:s2] =	ssyncpa.u1 $0x1  }
0x4d: {  	s31 =	simm.s32 $0x1;
	[sflag:s30] =	ssyncpa.u1 $0x1  }
0x4e: {  	[sflag:s31] =	ssyncpa.u1 $0x1  }
0x4f: {  	p0 =	sne.s32 s0, $0x0;
	_ =	strace $0x9000004A  }
0x50: {  	s0 =	sadd.s32 @!p0 $0x100000, s1;
	[bflag:$0x2] =	sbarrier.arrive $0xFFFF  }
0x51: {  	[sflag:s0] =	ssyncadd.tile.s32 @!p0 $0x1;
	_ =	shalt  }
.Lfunc_end2:
_tile_overlayer_lowered:
.L_overlay_start_2:
0x52: {  	(tag) =	ssettag $0x2  }
0x53: {  	s0 =	rddreg [dreg:$0x0];
	s2 =	stileid.u32  }
0x54: {  	s1 =	rddreg [dreg:$0x1];
	p0 =	sne.s32 s2, $0x0  }
0x55: {  	s3 =	rddreg [dreg:$0x2];
	[bflag:$0x3] =	sbarrier.arrive $0xFFFF;
	s2 =	simm.s32 @!p0 $0x1C01  }
0x56: {  	[timem:s3], [sflag:s2] =	dma.local @!p0 [hbm:s0], s1  }
0x57: {  	s0 =	simm.s32 @!p0 $0x1  }
0x58: {  	_ =	swait.ge @!p0 [sflag:s0], s1  }
0x59: {  	s1 =	ssub.s32 @!p0 $0x0, s1;
	[sflag:s0] =	ssyncset.done @!p0 $0x0  }
0x5a: {  	[sflag:s0] =	ssyncadd.s32 @!p0 s1  }
0x5b: {  	[bflag:$0x3] =	sbarrier.arrive $0xFFFF  }
0x5c: {  	_ =	shalt  }

// kernel: kernel.4.cloned.1.call-start
scs
__scs_entry_jumppad:
0x0: {  	(pc) =	sbr.rel $0x88, $3  }
0x1: {  	(tag) =	ssettag $0x0;
	lr =	simm.s32 $0x1  }
0x2: {  	[smem:$0x3F9E] =	sst lr;
	_ =	strace $0xD0000000  }
0x3: {  	_ = 	snop  }
0x4: {  	_ = 	snop  }
0x5: {  	_ = 	snop  }
0x6: {  	_ = 	snop  }
0x7: {  	_ = 	snop  }
__scs_overlays_trampoline_lowered:
0x8: {  	[smem:$0x3FAD] =	sst s0  }
0x9: {  	[smem:$0x3FAE] =	sst s1  }
0xa: {  	[smem:$0x3FAF] =	sst s2  }
0xb: {  	[smem:$0x3FB0] =	sst s3  }
0xc: {  	[smem:$0x3FB1] =	sst s4  }
0xd: {  	[smem:$0x3FB2] =	sst s5  }
0xe: {  	[smem:$0x3FB3] =	sst s6  }
0xf: {  	[smem:$0x3FB4] =	sst s7  }
0x10: {  	[smem:$0x3FB5] =	sst s8  }
0x11: {  	[smem:$0x3FB6] =	sst s9;
	s0 =	simm.s32 @!p0 $0x0  }
0x12: {  	s1 =	sld [smem:$0x3F9C];
	s0 =	simm.s32 @p0 $0x1  }
0x13: {  	[smem:$0x3FB7] =	sst s0;
	s0 =	simm.s32 @!p1 $0x0  }
0x14: {  	s2 =	sld [smem:$0x3F9B];
	s0 =	simm.s32 @p1 $0x1  }
0x15: {  	[smem:$0x3FB8] =	sst s0;
	s0 =	simm.s32 @!p2 $0x0  }
0x16: {  	s3 =	sld [smem:$0x3FDB];
	s0 =	simm.s32 @p2 $0x1  }
0x17: {  	s4 =	simm.s32 $0x1BF5;
	[smem:$0x3FBA] =	sst s0  }
0x18: {  	s0 =	sld [smem:$0x3F9D];
	_ =	swait.ge [sflag:s4], $0x0  }
0x19: {  	s7 =	sld [smem:$0x3F9E]  }
0x1a: {  	s8 =	sadd.s32 $0xFFFFE003, lr  }
0x1b: {  	s9 =	sadd.s32 $0xFFFFFEF7, lr;
	s5 =	simm.s32 $0xFFFFFFFF;
	p2 =	slt.u32 s8, $0xFFFFF086  }
0x1c: {  	p1 =	slt.u32 s9, $0xF7A;
	s5 =	simm.s32 @!p2 $0x0  }
0x1d: {  	s5 =	simm.s32 @p1 $0x1;
	p0 =	seq.s32 s7, s2  }
0x1e: {  	s7 =	smul.u32 @!p0 $0xF7A, s2;
	p2 =	seq.s32 @!p0 s5, $0x0  }
0x1f: {  	s9 =	smul.u32 $0xF7A, s1;
	s8 =	simm.s32 @!p0 $0x1BF5;
	p2 =	por !p2, p0  }
0x20: {  	[sflag:s8] =	ssyncset.s32 @!p0 $0xFFFFF086;
	s6 =	sadd.s32 @!p0 s3, s7;
	s7 =	simm.s32 @!p0 $0x108  }
0x21: {  	s3 =	sadd.s32 s3, s9;
	s6 =	sadd.s32 @!p0 $0x88, s6;
	s7 =	simm.s32 @p2 $0x1082  }
0x22: {  	[simem:s7], [sflag:s8] =	dma.local @!p0 [hbm:s6], $0xF7A  }
0x23: {  	s9 =	sor.u32 $0xD0000000, s2;
	s6 =	simm.s32 $0x108;
	_ =	swait.ge @!p0 [sflag:s8], $0x0  }
0x24: {  	s3 =	sadd.s32 $0x88, s3;
	s6 =	simm.s32 @!p1 $0x1082;
	[sflag:s4] =	ssyncset.s32 $0xFFFFF086  }
0x25: {  	[simem:s6], [sflag:s4] =	dma.local [hbm:s3], $0xF7A  }
0x26: {  	[smem:$0x3F9E] =	sst s1;
	(tag) =	ssettag s2;
	_ =	strace s9  }
0x27: {  	s1 =	sld [smem:$0x3FAE]  }
0x28: {  	s2 =	sld [smem:$0x3FAF]  }
0x29: {  	s4 =	sld [smem:$0x3FB1]  }
0x2a: {  	p0 =	seq.s32 s5, $0x0;
	s5 =	sld [smem:$0x3FB2]  }
0x2b: {  	s6 =	sld [smem:$0x3FB3]  }
0x2c: {  	s7 =	sld [smem:$0x3FB4]  }
0x2d: {  	s3 =	simm.s32 $0x108;
	s8 =	sld [smem:$0x3FB5]  }
0x2e: {  	s3 =	simm.s32 @!p0 $0x1082;
	s9 =	sld [smem:$0x3FB6]  }
0x2f: {  	lr =	sadd.s32 s0, s3;
	s0 =	sld [smem:$0x3FAD]  }
0x30: {  	s3 =	sld [smem:$0x3FB0]  }
0x31: {  	[smem:$0x3FB9] =	sst s10  }
0x32: {  	s10 =	sld [smem:$0x3FB7];
	_ =	sdelay $0x3  }
0x33: {  	p0 =	seq.s32 s10, $0x1;
	s10 =	sld [smem:$0x3FB9];
	_ =	sdelay $0x3  }
0x34: {  	[smem:$0x3FB9] =	sst s10  }
0x35: {  	s10 =	sld [smem:$0x3FB8];
	_ =	sdelay $0x3  }
0x36: {  	p1 =	seq.s32 s10, $0x1;
	s10 =	sld [smem:$0x3FB9];
	_ =	sdelay $0x3  }
0x37: {  	[smem:$0x3FB9] =	sst s10  }
0x38: {  	s10 =	sld [smem:$0x3FBA]  }
0x39: {  	_ = 	snop;
	(pc) =	sbr.ind lr, $3  }
0x3a: {  	_ = 	snop  }
0x3b: {  	_ = 	snop  }
0x3c: {  	p2 =	seq.s32 s10, $0x1;
	s10 =	sld [smem:$0x3FB9]  }
0x3d: {  	_ =	shalt  }
0x3e: {  	_ =	shalt  }
0x3f: {  	_ =	shalt  }
0x40: {  	_ =	shalt  }
0x41: {  	_ =	shalt  }
0x42: {  	_ =	shalt  }
0x43: {  	_ =	shalt  }
0x44: {  	_ =	shalt  }
0x45: {  	_ =	shalt  }
0x46: {  	_ =	shalt  }
0x47: {  	_ =	shalt  }
0x48: {  	_ =	shalt  }
0x49: {  	_ =	shalt  }
0x4a: {  	_ =	shalt  }
0x4b: {  	_ =	shalt  }
0x4c: {  	_ =	shalt  }
0x4d: {  	_ =	shalt  }
0x4e: {  	_ =	shalt  }
0x4f: {  	_ =	shalt  }
0x50: {  	_ =	shalt  }
0x51: {  	_ =	shalt  }
0x52: {  	_ =	shalt  }
0x53: {  	_ =	shalt  }
0x54: {  	_ =	shalt  }
0x55: {  	_ =	shalt  }
0x56: {  	_ =	shalt  }
0x57: {  	_ =	shalt  }
0x58: {  	_ =	shalt  }
0x59: {  	_ =	shalt  }
0x5a: {  	_ =	shalt  }
0x5b: {  	_ =	shalt  }
0x5c: {  	_ =	shalt  }
0x5d: {  	_ =	shalt  }
0x5e: {  	_ =	shalt  }
0x5f: {  	_ =	shalt  }
0x60: {  	_ =	shalt  }
0x61: {  	_ =	shalt  }
0x62: {  	_ =	shalt  }
0x63: {  	_ =	shalt  }
0x64: {  	_ =	shalt  }
0x65: {  	_ =	shalt  }
0x66: {  	_ =	shalt  }
0x67: {  	_ =	shalt  }
0x68: {  	_ =	shalt  }
0x69: {  	_ =	shalt  }
0x6a: {  	_ =	shalt  }
0x6b: {  	_ =	shalt  }
0x6c: {  	_ =	shalt  }
0x6d: {  	_ =	shalt  }
0x6e: {  	_ =	shalt  }
0x6f: {  	_ =	shalt  }
0x70: {  	_ =	shalt  }
0x71: {  	_ =	shalt  }
0x72: {  	_ =	shalt  }
0x73: {  	_ =	shalt  }
0x74: {  	_ =	shalt  }
0x75: {  	_ =	shalt  }
0x76: {  	_ =	shalt  }
0x77: {  	_ =	shalt  }
0x78: {  	_ =	shalt  }
0x79: {  	_ =	shalt  }
0x7a: {  	_ =	shalt  }
0x7b: {  	_ =	shalt  }
0x7c: {  	_ =	shalt  }
0x7d: {  	_ =	shalt  }
0x7e: {  	_ =	shalt  }
0x7f: {  	_ =	shalt  }
0x80: {  	_ =	shalt  }
0x81: {  	_ =	shalt  }
0x82: {  	_ =	shalt  }
0x83: {  	_ =	shalt  }
0x84: {  	_ =	shalt  }
0x85: {  	_ =	shalt  }
0x86: {  	_ =	shalt  }
0x87: {  	_ =	shalt  }
.Lfunc_end0:
.L_simem_size_0:
called_computation.1_lowered:
.L_overlay_start_0:
0x88: {  	s2 =	sld [smem:$0x3FD9]  }
0x89: {  	s3 =	sld [smem:$0x3FFE];
	_ =	sdelay $0x1  }
0x8a: {  	s1 =	srdreg.scid  }
0x8b: {  	s0 =	sand.u32 $0x1, s1  }
0x8c: {  	s14 =	sshll.u32 s0, $0xA;
	s2 =	sadd.s32 s3, s2  }
0x8d: {  	s2 =	sadd.s32 s2, s14  }
0x8e: {  	[smem:$0x3FC5] =	sst s2  }
0x8f: {  	_ = 	snop  }
0x90: {  	s2 =	sld [smem:$0x3FD0];
	_ =	sdelay $0x2  }
0x91: {  	s15 =	simm.s32 $0xA;
	s4 =	simm.s32 $0x10  }
0x92: {  	[smem:s4], [sflag:s15] =	dma.local [hbm:s2], $0x1  }
0x93: {  	_ =	swait.eq [sflag:s15], $0x1  }
0x94: {  	[sflag:s15] =	ssyncset.done $0x0  }
0x95: {  	[sflag:s15] =	ssyncadd.s32 $0xFFFFFFFF  }
0x96: {  	s16 =	sld [smem:$0x12];
	(tm) =	ssettm $0x1  }
0x97: {  	s17 =	sld [smem:$0x3FFB];
	_ =	sdelay $0x3  }
0x98: {  	_ =	strace s17  }
0x99: {  	s3 =	sld [smem:$0x3FFC];
	_ =	sdelay $0x3  }
0x9a: {  	_ =	strace s3  }
0x9b: {  	s3 =	sld [smem:$0x3FFD];
	_ =	sdelay $0x3  }
0x9c: {  	_ =	strace s3  }
0x9d: {  	_ =	strace $0x8FFFFFFF  }
0x9e: {  	s18 =	sld [smem:$0x3FDB];
	_ =	sdelay $0x1  }
0x9f: {  	s19 =	simm.s32 $_scs_section_size  }
0xa0: {  	s5 =	simm.s32 $_size__tile_overlayer_lowered;
	s6 =	simm.s32 $_tile_overlayer_lowered  }
0xa1: {  	s22 =	simm.s32 $0x1BFF;
	s21 =	sshll.u32 s6, $0x1;
	s3 =	sadd.s32 s19, s18  }
0xa2: {  	s7 =	simm.s32 $0x0;
	s20 =	sshll.u32 s5, $0x1;
	s5 =	sadd.s32 s21, s3  }
0xa3: {  	[timem:s7], [sflag:s22] =	dma.local [hbm:s5], s20  }
0xa4: {  	_ =	swait.ge [sflag:s22], s20  }
0xa5: {  	s4 =	ssub.s32 $0x0, s20;
	[sflag:s22] =	ssyncset.done $0x0  }
0xa6: {  	[sflag:s22] =	ssyncadd.s32 s4;
	_ =	sdelay $0x1  }
0xa7: {  	s23 =	simm.s32 $0x1B8B  }
0xa8: {  	_ =	swait.ge [sflag:s23], $0x1  }
0xa9: {  	[sflag:s23] =	ssyncset.done $0x0  }
0xaa: {  	s25 =	simm.s32 $0x1B8E;
	s24 =	sld [smem:$0x3FFE];
	[sflag:s23] =	ssyncadd.s32 $0xFFFFFFFF  }
0xab: {  	s26 =	simm.s32 $execute0_lowered;
	[smem:$0x3FD2] =	sst s25  }
0xac: {  	s5 =	sshll.u32 s26, $0x1;
	_ =	strace $0x80000046;
	[dreg:$0x1] =	wrdreg $0xFFFFFFFF  }
0xad: {  	s28 =	simm.s32 $_size_execute0_lowered;
	s3 =	sadd.s32 s3, s5;
	[dreg:$0x0] =	wrdreg $0x0  }
0xae: {  	s5 =	sshll.u32 s28, $0x1;
	[dreg:$0x2] =	wrdreg s3  }
0xaf: {  	[dreg:$0x3] =	wrdreg s5  }
0xb0: {  	[dreg:$0x4] =	wrdreg $0xC0  }
0xb1: {  	_ =	task [dreg:s7], $0x5FFFF  }
0xb2: {  	[dreg:$0x1] =	wrdreg $0xFFFFFFFF  }
0xb3: {  	[dreg:$0x0] =	wrdreg $0x60  }
0xb4: {  	[dreg:$0x2] =	wrdreg s24  }
0xb5: {  	[dreg:$0x3] =	wrdreg s16  }
0xb6: {  	[dreg:$0x4] =	wrdreg $0x9  }
0xb7: {  	_ =	task.clear_ibuf [dreg:s7], $0x5FFFF;
	_ =	strace $0x90000046  }
0xb8: {  	s29 =	simm.s32 $0x9;
	_ =	strace $0x80000048  }
0xb9: {  	_ =	swait.ge [sflag:s29], $0x1  }
0xba: {  	[sflag:s29] =	ssyncadd.s32 $0xFFFFFFFF  }
0xbb: {  	_ =	strace $0x90000048  }
0xbc: {  	_ =	sfence  }
0xbd: {  	s30 =	sld [smem:$0x0];
	_ =	sdelay $0x2  }
0xbe: {  	s31 =	sshll.u32 s1, $0xD;
	s1 =	sshrl.u32 s1, $0x2  }
0xbf: {  	s3 =	sand.u32 $0x4000, s31;
	s1 =	sadd.s32 s1, s30  }
0xc0: {  	s0 =	sor.u32 s3, s0;
	s1 =	sshll.u32 s1, $0x11  }
0xc1: {  	s0 =	sor.u32 s1, s0  }
0xc2: {  	s0 =	sadd.s32 $0x8F2B, s0  }
0xc3: {  	[sflag:s0] =	ssyncadd.remote.s32 $0x1  }
0xc4: {  	_ =	sfence.sel $0xFFFF  }
0xc5: {  	[dreg:$0x0] =	wrdreg $0xFFFFFFFF;
	(pc) =	sbr.abs _section_cstart, $3  }
0xc6: {  	[dreg:$0x1] =	wrdreg $0xFFFFFFFF  }
0xc7: {  	_ =	task.clear_ibuf [dreg:s7], $0x2FFFF;
	_ =	strace $0x9FFFFFFF  }
0xc8: {  	(tm) =	ssettm $0x7FFFFFFF  }
0xc9: {  	_ =	shalt  }
tec
execute0_lowered:
.L_overlay_start_1:
0x0: {  	(tag) =	ssettag $0x1  }
0x1: {  	s4 =	rddreg [dreg:$0x0]  }
0x2: {  	s9 =	rddreg [dreg:$0x1];
	s2 =	srdreg.scid  }
0x3: {  	s1 =	stileid.u32;
	s0 =	rddreg [dreg:$0x2]  }
0x4: {  	s13 =	simm.s32 $0x2;
	s14 =	simm.s32 $0x80;
	s15 =	simm.s32 $0x400  }
0x5: {  	s16 =	simm.s32 $0x16400;
	s17 =	simm.s32 $0x3;
	s18 =	simm.s32 $0x16600  }
0x6: {  	s19 =	simm.s32 $0x16000;
	s20 =	simm.s32 $0x0;
	s5 =	sand.u32 $0x1, s2  }
0x7: {  	s26 =	sshll.u32 s1, $0x8;
	s3 =	sshrl.u32 s1, $0x2;
	s2 =	simm.s32 $0x0  }
0x8: {  	s6 =	sshll.u32 s5, $0x7;
	s7 =	sand.u32 $0x300, s26;
	s28 =	sshll.u32 s3, $0xC  }
0x9: {  	[smem:$0x7FF] =	sst s2;
	s8 =	smul.u32 $0x5B0000, s3;
	s6 =	sor.u32 s6, s7  }
0xa: {  	s3 =	sadd.s32 $0x400800, s4;
	s5 =	ssub.s32 $0x2, s5;
	s7 =	sor.u32 s28, s6  }
0xb: {  	_ =	strace $0x80000047;
	s29 =	sshrl.u32 s5, $0x1;
	s10 =	sshrl.u32 s7, $0x3  }
.Ltmp0:
0xc: {  	s11 =	sadd.s32 s10, s4;
	s4 =	sor.u32 s8, s6;
	(pc) =	sbr.rel .LBB2_1-.Ltmp0, $4  }
0xd: {  	v0 =	vlaneseq.u32;
	s12 =	ssub.s32 s5, s29;
	s9 =	sadd.s32 s9, s10;
	s30 =	sshrl.u32 s4, $0x3  }
0xe: {  	v4 =	vmul.u32 $0xFFFFFFFF, v0;
	s8 =	sadd.s32 $0x38000, s4;
	s7 =	sadd.s32 $0x70000, s4;
	s10 =	sadd.s32 $0x800, s11  }
0xf: {  	v1 =	vimm.s32 $0x0;
	s11 =	smax.u32 s12, $0x1;
	s12 =	simm.s32 $0x1;
	s31 =	sshrl.u32 s8, $0x3  }
0x10: {  	v2 =	vimm.f32 $-Inf;
	v3 =	vimm.s32 $0x1;
	v4 =	vadd.s32 $0xF, v4;
	s5 =	sadd.s32 s3, s30;
	s8 =	sadd.s32 $0xA8000, s4;
	s6 =	sadd.s32 s3, s31  }
.LBB2_30:
0x11: {  	[hbm4b:s9+s14] =	stream.strided.scatter [tilespmem:s16], [sflag:$0x3], $0x200, s15, s14, $0x38;
	[tilespmem:$0x16800] =	vst v63  }
0x12: {  	s20 =	sadd.s32 $0x1, s20;
	_ =	swait.ge [sflag:s17], $0x200  }
0x13: {  	p0 =	sne.s32 s20, s11;
	[sflag:s17] =	ssyncset.done $0x0  }
.Ltmp1:
0x14: {  	[sflag:s17] =	ssyncadd.s32 $0xFFFFFE00;
	(pc) =	sbr.rel @!p0 .LBB2_31-.Ltmp1, $4  }
0x15: {  	[hbm4b:s10+s14] =	stream.strided.scatter [tilespmem:s18], [sflag:$0x3], $0x200, s15, s14, $0x38;
	[tilespmem:$0x16800] =	vst v63  }
0x16: {  	_ =	swait.ge [sflag:s17], $0x200  }
0x17: {  	[sflag:s17] =	ssyncset.done $0x0  }
0x18: {  	[sflag:s17] =	ssyncadd.s32 $0xFFFFFE00  }
.LBB2_1:
0x19: {  	s21 =	simm.s32 $0x40;
	s22 =	simm.s32 $0x0  }
.LBB2_2:
0x1a: {  	p0 =	sne.s32 s21, $0x1FFC0;
	[tilespmem:s22+$0x0] =	vst v1;
	s22 =	smov.u32 s21;
	s21 =	sadd.s32 $0x40, s21  }
.Ltmp2:
0x1b: {  	(pc) =	sbr.rel @p0 .LBB2_2-.Ltmp2, $2  }
0x1c: {  	_ =	sdelay $0x2  }
0x1d: {  	s22 =	sshra.s32 s22, $0x2  }
0x1e: {  	[tilespmem:s22+$0x0] =	vst v1;
	s21 =	simm.s32 $0x0  }
.LBB2_4:
0x1f: {  	p0 =	sne.s32 s21, $0x7C0  }
.Ltmp3:
0x20: {  	_ = 	snop;
	(pc) =	sbr.rel @p0 .LBB2_4-.Ltmp3, $4  }
0x21: {  	_ = 	snop  }
0x22: {  	s22 =	sshra.s32 s21, $0x2  }
0x23: {  	[tilespmem:s22+$0x16400] =	vst v2  }
0x24: {  	s21 =	sadd.s32 $0x40, s21;
	[tilespmem:s22+$0x16600] =	vst v1  }
0x25: {  	s21 =	simm.s32 $0x8000  }
0x26: {  	s22 =	simm.s32 $0x80;
	s24 =	sadd.s32 $0x0, s5;
	s23 =	simm.s32 $0x8100  }
.LBB2_6:
0x27: {  	[tilespmem:s21], [sflag:$0x1] =	stream.linear.gather [hbm4b:s24+s2], $0x80, $0x38;
	[tilespmem:$0x16800] =	vst v63  }
0x28: {  	s24 =	smov.u32 s22;
	s21 =	smov.u32 s23;
	p0 =	sne.s32 s22, $0x6F80  }
.Ltmp4:
0x29: {  	s22 =	sadd.s32 $0x80, s22;
	(pc) =	sbr.rel @p0 .LBB2_6-.Ltmp4, $2  }
0x2a: {  	_ =	sdelay $0x2  }
0x2b: {  	s23 =	sadd.s32 $0x100, s23;
	s24 =	sadd.s32 s24, s5  }
0x2c: {  	[tilespmem:s21], [sflag:$0x1] =	stream.linear.gather [hbm4b:s24+s2], $0x80, $0x38;
	[tilespmem:$0x16800] =	vst v63  }
0x2d: {  	s26 =	simm.s32 $0x0;
	s21 =	simm.s32 $0x8080;
	s22 =	simm.s32 $0x0  }
.LBB2_8:
0x2e: {  	p0 =	sne.s32 s22, $0x6F80  }
.Ltmp5:
0x2f: {  	_ = 	snop;
	(pc) =	sbr.rel @p0 .LBB2_8-.Ltmp5, $4  }
0x30: {  	_ = 	snop  }
0x31: {  	s23 =	sadd.s32 s22, s6  }
0x32: {  	[tilespmem:s21], [sflag:$0x2] =	stream.linear.gather [hbm4b:s23+s26], $0x80, $0x38;
	[tilespmem:$0x16800] =	vst v63  }
0x33: {  	s22 =	sadd.s32 $0x80, s22;
	s21 =	sadd.s32 $0x100, s21  }
0x34: {  	s21 =	simm.s32 $0x1C;
	s22 =	simm.s32 $0x0;
	s23 =	simm.s32 $0x0  }
.LBB2_10:
0x35: {  	_ =	swait.ge [sflag:s12], $0x7000  }
0x36: {  	[sflag:s12] =	ssyncset.done $0x0  }
0x37: {  	s24 =	simm.s32 $0x8400;
	[sflag:s12] =	ssyncadd.s32 $0xFFFF9000  }
0x38: {  	v19 =	vld [tilespmem:s24+$0x300]  }
0x39: {  	v20 =	vld [tilespmem:s24+$0x310]  }
0x3a: {  	v9 =	vld [tilespmem:s24+$0x320]  }
0x3b: {  	v10 =	vld [tilespmem:s24+$0x330]  }
0x3c: {  	v11 =	vld [tilespmem:s24+$0x340]  }
0x3d: {  	v5 =	vld [tilespmem:s24+$0x350]  }
0x3e: {  	v6 =	vld [tilespmem:s24+$0x360]  }
0x3f: {  	v26 =	vld [tilespmem:s24+$0x200]  }
0x40: {  	v27 =	vld [tilespmem:s24+$0x210]  }
0x41: {  	v14 =	vld [tilespmem:s24+$0x220]  }
0x42: {  	v15 =	vld [tilespmem:s24+$0x230]  }
0x43: {  	v16 =	vld [tilespmem:s24+$0x240]  }
0x44: {  	v7 =	vld [tilespmem:s24+$0x250]  }
0x45: {  	v8 =	vld [tilespmem:s24+$0x260]  }
0x46: {  	v31 =	vld [tilespmem:s24+$0x100]  }
0x47: {  	v32 =	vld [tilespmem:s24+$0x110]  }
0x48: {  	v21 =	vld [tilespmem:s24+$0x120]  }
0x49: {  	v22 =	vld [tilespmem:s24+$0x130]  }
0x4a: {  	v23 =	vld [tilespmem:s24+$0x140]  }
0x4b: {  	v12 =	vld [tilespmem:s24+$0x150]  }
0x4c: {  	v13 =	vld [tilespmem:s24+$0x160]  }
0x4d: {  	v36 =	vld [tilespmem:s24+$0x0]  }
0x4e: {  	v37 =	vld [tilespmem:s24+$0x10]  }
0x4f: {  	v28 =	vld [tilespmem:s24+$0x20]  }
0x50: {  	v29 =	vld [tilespmem:s24+$0x30]  }
0x51: {  	v30 =	vld [tilespmem:s24+$0x40]  }
0x52: {  	v17 =	vld [tilespmem:s24+$0x50]  }
0x53: {  	v18 =	vld [tilespmem:s24+$0x60]  }
0x54: {  	v38 =	vld [tilespmem:s24+$0xFFFFFF00]  }
0x55: {  	v39 =	vld [tilespmem:s24+$0xFFFFFF10]  }
0x56: {  	v33 =	vld [tilespmem:s24+$0xFFFFFF20]  }
0x57: {  	v34 =	vld [tilespmem:s24+$0xFFFFFF30]  }
0x58: {  	v35 =	vld [tilespmem:s24+$0xFFFFFF40]  }
0x59: {  	v24 =	vld [tilespmem:s24+$0xFFFFFF50]  }
0x5a: {  	v25 =	vld [tilespmem:s24+$0xFFFFFF60]  }
0x5b: {  	s25 =	simm.s32 $0x0;
	s28 =	simm.s32 $0x4;
	v40 =	vld [tilespmem:s24+$0xFFFFFE00]  }
.LBB2_11:
0x5c: {  	s29 =	smov.u32 s26  }
0x5d: {  	p0 =	sne.s32 s28, $0x6C;
	v41 =	vld [tilespmem:s24+$0xFFFFFE10]  }
0x5e: {  	v42 =	vld [tilespmem:s24+$0xFFFFFE20]  }
0x5f: {  	v43 =	vld [tilespmem:s24+$0xFFFFFE30]  }
0x60: {  	v44 =	vld [tilespmem:s24+$0xFFFFFD00]  }
0x61: {  	v45 =	vld [tilespmem:s24+$0xFFFFFC00]  }
0x62: {  	v46 =	vld [tilespmem:s24+$0xFFFFFC10]  }
0x63: {  	v47 =	vld [tilespmem:s24+$0xFFFFFD10]  }
0x64: {  	v48 =	vld [tilespmem:s24+$0xFFFFFE40]  }
0x65: {  	v49 =	vld [tilespmem:s24+$0xFFFFFE50]  }
0x66: {  	v50 =	vld [tilespmem:s24+$0xFFFFFC20]  }
0x67: {  	v51 =	vld [tilespmem:s24+$0xFFFFFD20]  }
0x68: {  	v44 =	vmax.f32 v45, v44;
	v52 =	vld [tilespmem:s24+$0xFFFFFC30];
	v45 =	vmax.f32 v46, v47  }
0x69: {  	v40 =	vmax.f32 v44, v40;
	v46 =	vld [tilespmem:s24+$0xFFFFFD30];
	v41 =	vmax.f32 v45, v41  }
0x6a: {  	v38 =	vmax.f32 v40, v38;
	v44 =	vld [tilespmem:s24+$0xFFFFFC40];
	v39 =	vmax.f32 v41, v39  }
0x6b: {  	v36 =	vmax.f32 v38, v36;
	v40 =	vld [tilespmem:s24+$0xFFFFFD40];
	v37 =	vmax.f32 v39, v37  }
0x6c: {  	v31 =	vmax.f32 v36, v31;
	v38 =	vld [tilespmem:s24+$0xFFFFFE60];
	v32 =	vmax.f32 v37, v32  }
0x6d: {  	v26 =	vmax.f32 v31, v26;
	v36 =	vld [tilespmem:s24+$0xFFFFFC50];
	v27 =	vmax.f32 v32, v27  }
0x6e: {  	v19 =	vmax.f32 v26, v19;
	v31 =	vld [tilespmem:s24+$0xFFFFFD50];
	v20 =	vmax.f32 v27, v20  }
0x6f: {  	v26 =	vld [tilespmem:s24+$0xFFFFFC60];
	v19 =	vmax.f32 v19, v20  }
0x70: {  	v27 =	vmax.f32 v52, v46;
	v20 =	vmax.f32 v50, v51;
	v32 =	vmax.f32 v44, v40;
	v37 =	vld [tilespmem:s24+$0xFFFFFD60]  }
0x71: {  	v27 =	vmax.f32 v27, v43;
	v20 =	vmax.f32 v20, v42;
	v39 =	vld [tilespmem:s24+$0xFFFFFC70];
	v32 =	vmax.f32 v32, v48  }
0x72: {  	v27 =	vmax.f32 v27, v34;
	v20 =	vmax.f32 v20, v33;
	v40 =	vld [tilespmem:s24+$0xFFFFFD70];
	v32 =	vmax.f32 v32, v35  }
0x73: {  	v27 =	vmax.f32 v27, v29;
	v20 =	vmax.f32 v20, v28;
	v33 =	vld [tilespmem:s24+$0xFFFFFE70];
	v28 =	vmax.f32 v32, v30  }
0x74: {  	v20 =	vmax.f32 v20, v21;
	v21 =	vmax.f32 v27, v22;
	v29 =	vld [tilespmem:s24+$0xFFFFFF70];
	v22 =	vmax.f32 v28, v23  }
0x75: {  	v14 =	vmax.f32 v20, v14;
	v15 =	vmax.f32 v21, v15;
	v23 =	vld [tilespmem:s24+$0x70];
	v16 =	vmax.f32 v22, v16  }
0x76: {  	v9 =	vmax.f32 v14, v9;
	v10 =	vmax.f32 v15, v10;
	v20 =	vld [tilespmem:s24+$0x170];
	v11 =	vmax.f32 v16, v11  }
0x77: {  	v14 =	vmax.f32 v36, v31;
	v15 =	vmax.f32 v26, v37;
	v16 =	vmax.f32 v39, v40;
	v21 =	vld [tilespmem:s24+$0x270]  }
0x78: {  	v14 =	vmax.f32 v14, v49;
	v15 =	vmax.f32 v15, v38;
	v16 =	vmax.f32 v16, v33;
	v22 =	vld [tilespmem:s24+$0x370]  }
0x79: {  	v14 =	vmax.f32 v14, v24;
	v15 =	vmax.f32 v15, v25;
	v16 =	vmax.f32 v16, v29  }
0x7a: {  	v14 =	vmax.f32 v14, v17;
	v15 =	vmax.f32 v15, v18;
	v16 =	vmax.f32 v16, v23  }
0x7b: {  	v12 =	vmax.f32 v14, v12;
	v13 =	vmax.f32 v15, v13;
	v14 =	vmax.f32 v16, v20  }
0x7c: {  	v7 =	vmax.f32 v12, v7;
	v8 =	vmax.f32 v13, v8;
	v12 =	vmax.f32 v14, v21  }
0x7d: {  	v5 =	vmax.f32 v7, v5;
	v6 =	vmax.f32 v8, v6;
	v7 =	vmax.f32 v12, v22  }
0x7e: {  	v8 =	vmax.f32 v9, v10;
	v5 =	vmax.f32 v11, v5;
	v6 =	vmax.f32 v6, v7  }
0x7f: {  	v7 =	vmax.f32 v19, v8;
	v5 =	vmax.f32 v5, v6  }
0x80: {  	v5 =	vmax.f32 v7, v5  }
0x81: {  	v6 =	vshra.s32 v5, $0x1F  }
0x82: {  	v6 =	vor.u32 $0x80000000, v6  }
0x83: {  	v5 =	vxor.u32 v5, v6  }
0x84: {  	v5 =	vshrl.u32 v5, $0x11  }
0x85: {  	v6 =	vor.u32 $0x80000000, v5  }
0x86: {  	(xrf0) =	vmax.scan.msk.u32 $0xffff, v6;
	_ =	sdelay $0x2  }
0x87: {  	s24 =	sadd.s32 $0x800, s24;
	[tilespmem:v5+s2+$0x0] =	vst.idx.add.s32.msk $0xffff, v3  }
0x88: {  	v19 =	vld [tilespmem:s24+$0x300]  }
0x89: {  	v20 =	vld [tilespmem:s24+$0x310]  }
0x8a: {  	v9 =	vld [tilespmem:s24+$0x320];
	v5, _, _ =	vpop (xrf0)  }
0x8b: {  	v10 =	vld [tilespmem:s24+$0x330];
	(v2sf) =	vpush v5, $0xF  }
0x8c: {  	v11 =	vld [tilespmem:s24+$0x340]  }
0x8d: {  	v5 =	vld [tilespmem:s24+$0x350]  }
0x8e: {  	v6 =	vld [tilespmem:s24+$0x360]  }
0x8f: {  	v26 =	vld [tilespmem:s24+$0x200]  }
0x90: {  	v27 =	vld [tilespmem:s24+$0x210]  }
0x91: {  	v14 =	vld [tilespmem:s24+$0x220]  }
0x92: {  	v15 =	vld [tilespmem:s24+$0x230]  }
0x93: {  	v16 =	vld [tilespmem:s24+$0x240]  }
0x94: {  	v7 =	vld [tilespmem:s24+$0x250]  }
0x95: {  	v8 =	vld [tilespmem:s24+$0x260]  }
0x96: {  	v31 =	vld [tilespmem:s24+$0x100]  }
0x97: {  	v32 =	vld [tilespmem:s24+$0x110]  }
0x98: {  	v21 =	vld [tilespmem:s24+$0x120]  }
0x99: {  	v22 =	vld [tilespmem:s24+$0x130]  }
0x9a: {  	s30 =	sshra.s32 s25, $0x2;
	s25 =	smov.u32 s28;
	v23 =	vld [tilespmem:s24+$0x140];
	s26 =	spop (v2sf)  }
0x9b: {  	s30 =	sadd.s32 s30, s22;
	v12 =	vld [tilespmem:s24+$0x150];
	s26 =	sxor.u32 $0x80000000, s26  }
0x9c: {  	v13 =	vld [tilespmem:s24+$0x160];
	[smem:s30] =	sst s26;
	p1 =	sgt.s32 s29, s26  }
0x9d: {  	v36 =	vld [tilespmem:s24+$0x0];
	s26 =	smov.u32 @p1 s29  }
0x9e: {  	v37 =	vld [tilespmem:s24+$0x10]  }
0x9f: {  	v28 =	vld [tilespmem:s24+$0x20]  }
0xa0: {  	v29 =	vld [tilespmem:s24+$0x30]  }
0xa1: {  	v30 =	vld [tilespmem:s24+$0x40]  }
0xa2: {  	v17 =	vld [tilespmem:s24+$0x50]  }
0xa3: {  	v18 =	vld [tilespmem:s24+$0x60]  }
0xa4: {  	v38 =	vld [tilespmem:s24+$0xFFFFFF00]  }
0xa5: {  	v39 =	vld [tilespmem:s24+$0xFFFFFF10]  }
0xa6: {  	v33 =	vld [tilespmem:s24+$0xFFFFFF20]  }
.Ltmp6:
0xa7: {  	v34 =	vld [tilespmem:s24+$0xFFFFFF30];
	(pc) =	sbr.rel @p0 .LBB2_11-.Ltmp6, $4  }
0xa8: {  	v35 =	vld [tilespmem:s24+$0xFFFFFF40]  }
0xa9: {  	v24 =	vld [tilespmem:s24+$0xFFFFFF50]  }
0xaa: {  	v25 =	vld [tilespmem:s24+$0xFFFFFF60]  }
0xab: {  	s28 =	sadd.s32 $0x4, s28;
	v40 =	vld [tilespmem:s24+$0xFFFFFE00]  }
0xac: {  	v41 =	vld [tilespmem:s24+$0xFFFFFE10]  }
0xad: {  	v44 =	vld [tilespmem:s24+$0xFFFFFD00]  }
0xae: {  	v45 =	vld [tilespmem:s24+$0xFFFFFC00]  }
0xaf: {  	v46 =	vld [tilespmem:s24+$0xFFFFFC10]  }
0xb0: {  	v47 =	vld [tilespmem:s24+$0xFFFFFD10]  }
0xb1: {  	v48 =	vld [tilespmem:s24+$0xFFFFFE40]  }
0xb2: {  	v50 =	vld [tilespmem:s24+$0xFFFFFC20]  }
0xb3: {  	v51 =	vld [tilespmem:s24+$0xFFFFFD20]  }
0xb4: {  	v52 =	vld [tilespmem:s24+$0xFFFFFC30]  }
0xb5: {  	v56 =	vld [tilespmem:s24+$0xFFFFFD30]  }
0xb6: {  	v57 =	vld [tilespmem:s24+$0xFFFFFC40]  }
0xb7: {  	v58 =	vld [tilespmem:s24+$0xFFFFFD40]  }
0xb8: {  	v59 =	vld [tilespmem:s24+$0xFFFFFC50]  }
0xb9: {  	v60 =	vld [tilespmem:s24+$0xFFFFFD50]  }
0xba: {  	v61 =	vld [tilespmem:s24+$0xFFFFFC60]  }
0xbb: {  	v44 =	vmax.f32 v45, v44;
	v45 =	vld [tilespmem:s24+$0xFFFFFD60]  }
0xbc: {  	v55 =	vmax.f32 v46, v47;
	v46 =	vld [tilespmem:s24+$0xFFFFFC70];
	v40 =	vmax.f32 v44, v40  }
0xbd: {  	v62 =	vmax.f32 v50, v51;
	v47 =	vld [tilespmem:s24+$0xFFFFFD70];
	v41 =	vmax.f32 v55, v41;
	v38 =	vmax.f32 v40, v38  }
0xbe: {  	v43 =	vld [tilespmem:s24+$0xFFFFFE30];
	v63 =	vmax.f32 v52, v56;
	v39 =	vmax.f32 v41, v39;
	v36 =	vmax.f32 v38, v36  }
0xbf: {  	v42 =	vld [tilespmem:s24+$0xFFFFFE20];
	v56 =	vmax.f32 v59, v60;
	v37 =	vmax.f32 v39, v37;
	v31 =	vmax.f32 v36, v31  }
0xc0: {  	v44 =	vmax.f32 v57, v58;
	v32 =	vmax.f32 v37, v32;
	v26 =	vmax.f32 v31, v26  }
0xc1: {  	v27 =	vmax.f32 v32, v27;
	v32 =	vmax.f32 v44, v48;
	v57 =	vmax.f32 v61, v45  }
0xc2: {  	v49 =	vld [tilespmem:s24+$0xFFFFFE50];
	v58 =	vmax.f32 v46, v47;
	v19 =	vmax.f32 v26, v19;
	v20 =	vmax.f32 v27, v20  }
0xc3: {  	v48 =	vld [tilespmem:s24+$0xFFFFFE70];
	v27 =	vmax.f32 v63, v43;
	v32 =	vmax.f32 v32, v35;
	v19 =	vmax.f32 v19, v20  }
0xc4: {  	v38 =	vld [tilespmem:s24+$0xFFFFFE60];
	v20 =	vmax.f32 v62, v42;
	v27 =	vmax.f32 v27, v34;
	v50 =	vmax.f32 v32, v30  }
0xc5: {  	v51 =	vld [tilespmem:s24+$0xFFFFFF70];
	v20 =	vmax.f32 v20, v33;
	v27 =	vmax.f32 v27, v29;
	v53 =	vmax.f32 v50, v23  }
0xc6: {  	v54 =	vld [tilespmem:s24+$0x70];
	v20 =	vmax.f32 v20, v28;
	v52 =	vmax.f32 v27, v22;
	v16 =	vmax.f32 v53, v16  }
0xc7: {  	v55 =	vld [tilespmem:s24+$0x170];
	v20 =	vmax.f32 v20, v21;
	v15 =	vmax.f32 v52, v15;
	v11 =	vmax.f32 v16, v11  }
0xc8: {  	v59 =	vld [tilespmem:s24+$0x270];
	v16 =	vmax.f32 v58, v48;
	v14 =	vmax.f32 v20, v14;
	v10 =	vmax.f32 v15, v10  }
0xc9: {  	v60 =	vld [tilespmem:s24+$0x370];
	v15 =	vmax.f32 v57, v38;
	v9 =	vmax.f32 v14, v9;
	v14 =	vmax.f32 v56, v49  }
0xca: {  	v16 =	vmax.f32 v16, v51;
	v15 =	vmax.f32 v15, v25;
	v14 =	vmax.f32 v14, v24  }
0xcb: {  	v16 =	vmax.f32 v16, v54;
	v15 =	vmax.f32 v15, v18;
	v14 =	vmax.f32 v14, v17  }
0xcc: {  	v61 =	vmax.f32 v16, v55;
	v13 =	vmax.f32 v15, v13;
	v12 =	vmax.f32 v14, v12  }
0xcd: {  	v62 =	vmax.f32 v61, v59;
	v8 =	vmax.f32 v13, v8;
	v7 =	vmax.f32 v12, v7  }
0xce: {  	v6 =	vmax.f32 v8, v6;
	v5 =	vmax.f32 v7, v5;
	v7 =	vmax.f32 v62, v60  }
0xcf: {  	v63 =	vmax.f32 v9, v10;
	v5 =	vmax.f32 v11, v5;
	v6 =	vmax.f32 v6, v7  }
0xd0: {  	v7 =	vmax.f32 v19, v63;
	v5 =	vmax.f32 v5, v6  }
0xd1: {  	v5 =	vmax.f32 v7, v5  }
0xd2: {  	v6 =	vshra.s32 v5, $0x1F  }
0xd3: {  	v6 =	vor.u32 $0x80000000, v6  }
0xd4: {  	v5 =	vxor.u32 v5, v6  }
0xd5: {  	v5 =	vshrl.u32 v5, $0x11  }
0xd6: {  	v6 =	vor.u32 $0x80000000, v5  }
0xd7: {  	(xrf0) =	vmax.scan.msk.u32 $0xffff, v6;
	_ =	sdelay $0x5  }
0xd8: {  	v6, _, _ =	vpop (xrf0)  }
0xd9: {  	(v2sf) =	vpush v6, $0xF;
	_ =	sdelay $0xc  }
0xda: {  	p0 =	seq.s32 s23, $0xC  }
.Ltmp7:
0xdb: {  	_ = 	snop;
	(pc) =	sbr.rel @p0 .LBB2_16-.Ltmp7, $4  }
0xdc: {  	s31 =	spop (v2sf)  }
0xdd: {  	s30 =	sshra.s32 s25, $0x2;
	s28 =	sxor.u32 $0x80000000, s31  }
0xde: {  	s24 =	sadd.s32 s30, s22;
	p1 =	sgt.s32 s26, s28  }
0xdf: {  	[tilespmem:v5+s2+$0x0] =	vst.idx.add.s32.msk $0xffff, v3;
	[smem:s24] =	sst s28;
	s28 =	smov.u32 @p1 s26  }
0xe0: {  	s24 =	smul.u32 $0x70000, s23;
	_ =	sdelay $0x1  }
0xe1: {  	s24 =	sadd.s32 s24, s7  }
0xe2: {  	s24 =	sshrl.u32 s24, $0x3  }
0xe3: {  	s25 =	simm.s32 $0x8000;
	s24 =	sadd.s32 s3, s24  }
0xe4: {  	s26 =	simm.s32 $0x80;
	s29 =	simm.s32 $0x8100;
	s30 =	sadd.s32 $0x0, s24  }
.LBB2_14:
0xe5: {  	[tilespmem:s25], [sflag:$0x1] =	stream.linear.gather [hbm4b:s30+s2], $0x80, $0x38;
	[tilespmem:$0x16800] =	vst v63  }
0xe6: {  	s30 =	smov.u32 s26;
	s25 =	smov.u32 s29;
	p1 =	sne.s32 s26, $0x6F80  }
.Ltmp8:
0xe7: {  	s26 =	sadd.s32 $0x80, s26;
	(pc) =	sbr.rel @p1 .LBB2_14-.Ltmp8, $2  }
0xe8: {  	_ =	sdelay $0x2  }
0xe9: {  	s29 =	sadd.s32 $0x100, s29;
	s30 =	sadd.s32 s30, s24  }
0xea: {  	[tilespmem:s25], [sflag:$0x1] =	stream.linear.gather [hbm4b:s30+s2], $0x80, $0x38;
	[tilespmem:$0x16800] =	vst v63  }
.LBB2_16:
0xeb: {  	_ =	swait.ge [sflag:s13], $0x7000  }
0xec: {  	[sflag:s13] =	ssyncset.done $0x0  }
0xed: {  	s24 =	simm.s32 $0x8480;
	[sflag:s13] =	ssyncadd.s32 $0xFFFF9000  }
0xee: {  	v19 =	vld [tilespmem:s24+$0x300]  }
0xef: {  	v20 =	vld [tilespmem:s24+$0x310]  }
0xf0: {  	v9 =	vld [tilespmem:s24+$0x320]  }
0xf1: {  	v10 =	vld [tilespmem:s24+$0x330]  }
0xf2: {  	v11 =	vld [tilespmem:s24+$0x340]  }
0xf3: {  	v5 =	vld [tilespmem:s24+$0x350]  }
0xf4: {  	v6 =	vld [tilespmem:s24+$0x360]  }
0xf5: {  	v26 =	vld [tilespmem:s24+$0x200]  }
0xf6: {  	v27 =	vld [tilespmem:s24+$0x210]  }
0xf7: {  	v14 =	vld [tilespmem:s24+$0x220]  }
0xf8: {  	v15 =	vld [tilespmem:s24+$0x230]  }
0xf9: {  	v16 =	vld [tilespmem:s24+$0x240]  }
0xfa: {  	v7 =	vld [tilespmem:s24+$0x250]  }
0xfb: {  	v8 =	vld [tilespmem:s24+$0x260]  }
0xfc: {  	v31 =	vld [tilespmem:s24+$0x100]  }
0xfd: {  	v32 =	vld [tilespmem:s24+$0x110]  }
0xfe: {  	v21 =	vld [tilespmem:s24+$0x120]  }
0xff: {  	v22 =	vld [tilespmem:s24+$0x130]  }
0x100: {  	v23 =	vld [tilespmem:s24+$0x140]  }
0x101: {  	v12 =	vld [tilespmem:s24+$0x150]  }
0x102: {  	v13 =	vld [tilespmem:s24+$0x160]  }
0x103: {  	v36 =	vld [tilespmem:s24+$0x0]  }
0x104: {  	v37 =	vld [tilespmem:s24+$0x10]  }
0x105: {  	v28 =	vld [tilespmem:s24+$0x20]  }
0x106: {  	v29 =	vld [tilespmem:s24+$0x30]  }
0x107: {  	v30 =	vld [tilespmem:s24+$0x40]  }
0x108: {  	v17 =	vld [tilespmem:s24+$0x50]  }
0x109: {  	v18 =	vld [tilespmem:s24+$0x60]  }
0x10a: {  	v38 =	vld [tilespmem:s24+$0xFFFFFF00]  }
0x10b: {  	v39 =	vld [tilespmem:s24+$0xFFFFFF10]  }
0x10c: {  	v33 =	vld [tilespmem:s24+$0xFFFFFF20]  }
0x10d: {  	v34 =	vld [tilespmem:s24+$0xFFFFFF30]  }
0x10e: {  	v35 =	vld [tilespmem:s24+$0xFFFFFF40]  }
0x10f: {  	v24 =	vld [tilespmem:s24+$0xFFFFFF50]  }
0x110: {  	v25 =	vld [tilespmem:s24+$0xFFFFFF60]  }
0x111: {  	s25 =	simm.s32 $0x0;
	s26 =	simm.s32 $0x4;
	v40 =	vld [tilespmem:s24+$0xFFFFFE00]  }
.LBB2_17:
0x112: {  	s29 =	smov.u32 s28  }
0x113: {  	p1 =	sne.s32 s26, $0x6C;
	v41 =	vld [tilespmem:s24+$0xFFFFFE10]  }
0x114: {  	v42 =	vld [tilespmem:s24+$0xFFFFFE20]  }
0x115: {  	v43 =	vld [tilespmem:s24+$0xFFFFFE30]  }
0x116: {  	v44 =	vld [tilespmem:s24+$0xFFFFFD00]  }
0x117: {  	v45 =	vld [tilespmem:s24+$0xFFFFFC00]  }
0x118: {  	v46 =	vld [tilespmem:s24+$0xFFFFFC10]  }
0x119: {  	v47 =	vld [tilespmem:s24+$0xFFFFFD10]  }
0x11a: {  	v48 =	vld [tilespmem:s24+$0xFFFFFE40]  }
0x11b: {  	v49 =	vld [tilespmem:s24+$0xFFFFFE50]  }
0x11c: {  	v50 =	vld [tilespmem:s24+$0xFFFFFC20]  }
0x11d: {  	v51 =	vld [tilespmem:s24+$0xFFFFFD20]  }
0x11e: {  	v44 =	vmax.f32 v45, v44;
	v52 =	vld [tilespmem:s24+$0xFFFFFC30];
	v45 =	vmax.f32 v46, v47  }
0x11f: {  	v40 =	vmax.f32 v44, v40;
	v46 =	vld [tilespmem:s24+$0xFFFFFD30];
	v41 =	vmax.f32 v45, v41  }
0x120: {  	v38 =	vmax.f32 v40, v38;
	v44 =	vld [tilespmem:s24+$0xFFFFFC40];
	v39 =	vmax.f32 v41, v39  }
0x121: {  	v36 =	vmax.f32 v38, v36;
	v40 =	vld [tilespmem:s24+$0xFFFFFD40];
	v37 =	vmax.f32 v39, v37  }
0x122: {  	v31 =	vmax.f32 v36, v31;
	v38 =	vld [tilespmem:s24+$0xFFFFFE60];
	v32 =	vmax.f32 v37, v32  }
0x123: {  	v26 =	vmax.f32 v31, v26;
	v36 =	vld [tilespmem:s24+$0xFFFFFC50];
	v27 =	vmax.f32 v32, v27  }
0x124: {  	v19 =	vmax.f32 v26, v19;
	v31 =	vld [tilespmem:s24+$0xFFFFFD50];
	v20 =	vmax.f32 v27, v20  }
0x125: {  	v26 =	vld [tilespmem:s24+$0xFFFFFC60];
	v19 =	vmax.f32 v19, v20  }
0x126: {  	v27 =	vmax.f32 v52, v46;
	v20 =	vmax.f32 v50, v51;
	v32 =	vmax.f32 v44, v40;
	v37 =	vld [tilespmem:s24+$0xFFFFFD60]  }
0x127: {  	v27 =	vmax.f32 v27, v43;
	v20 =	vmax.f32 v20, v42;
	v39 =	vld [tilespmem:s24+$0xFFFFFC70];
	v32 =	vmax.f32 v32, v48  }
0x128: {  	v27 =	vmax.f32 v27, v34;
	v20 =	vmax.f32 v20, v33;
	v40 =	vld [tilespmem:s24+$0xFFFFFD70];
	v32 =	vmax.f32 v32, v35  }
0x129: {  	v27 =	vmax.f32 v27, v29;
	v20 =	vmax.f32 v20, v28;
	v33 =	vld [tilespmem:s24+$0xFFFFFE70];
	v28 =	vmax.f32 v32, v30  }
0x12a: {  	v20 =	vmax.f32 v20, v21;
	v21 =	vmax.f32 v27, v22;
	v29 =	vld [tilespmem:s24+$0xFFFFFF70];
	v22 =	vmax.f32 v28, v23  }
0x12b: {  	v14 =	vmax.f32 v20, v14;
	v15 =	vmax.f32 v21, v15;
	v23 =	vld [tilespmem:s24+$0x70];
	v16 =	vmax.f32 v22, v16  }
0x12c: {  	v9 =	vmax.f32 v14, v9;
	v10 =	vmax.f32 v15, v10;
	v20 =	vld [tilespmem:s24+$0x170];
	v11 =	vmax.f32 v16, v11  }
0x12d: {  	v14 =	vmax.f32 v36, v31;
	v15 =	vmax.f32 v26, v37;
	v16 =	vmax.f32 v39, v40;
	v21 =	vld [tilespmem:s24+$0x270]  }
0x12e: {  	v14 =	vmax.f32 v14, v49;
	v15 =	vmax.f32 v15, v38;
	v16 =	vmax.f32 v16, v33;
	v22 =	vld [tilespmem:s24+$0x370]  }
0x12f: {  	v14 =	vmax.f32 v14, v24;
	v15 =	vmax.f32 v15, v25;
	v16 =	vmax.f32 v16, v29  }
0x130: {  	v14 =	vmax.f32 v14, v17;
	v15 =	vmax.f32 v15, v18;
	v16 =	vmax.f32 v16, v23  }
0x131: {  	v12 =	vmax.f32 v14, v12;
	v13 =	vmax.f32 v15, v13;
	v14 =	vmax.f32 v16, v20  }
0x132: {  	v7 =	vmax.f32 v12, v7;
	v8 =	vmax.f32 v13, v8;
	v12 =	vmax.f32 v14, v21  }
0x133: {  	v5 =	vmax.f32 v7, v5;
	v6 =	vmax.f32 v8, v6;
	v7 =	vmax.f32 v12, v22  }
0x134: {  	v8 =	vmax.f32 v9, v10;
	v5 =	vmax.f32 v11, v5;
	v6 =	vmax.f32 v6, v7  }
0x135: {  	v7 =	vmax.f32 v19, v8;
	v5 =	vmax.f32 v5, v6  }
0x136: {  	v5 =	vmax.f32 v7, v5  }
0x137: {  	v6 =	vshra.s32 v5, $0x1F  }
0x138: {  	v6 =	vor.u32 $0x80000000, v6  }
0x139: {  	v5 =	vxor.u32 v5, v6  }
0x13a: {  	v5 =	vshrl.u32 v5, $0x11  }
0x13b: {  	v6 =	vor.u32 $0x80000000, v5  }
0x13c: {  	(xrf0) =	vmax.scan.msk.u32 $0xffff, v6;
	_ =	sdelay $0x2  }
0x13d: {  	s24 =	sadd.s32 $0x800, s24;
	[tilespmem:v5+s2+$0x0] =	vst.idx.add.s32.msk $0xffff, v3  }
0x13e: {  	v19 =	vld [tilespmem:s24+$0x300]  }
0x13f: {  	v20 =	vld [tilespmem:s24+$0x310]  }
0x140: {  	v9 =	vld [tilespmem:s24+$0x320];
	v5, _, _ =	vpop (xrf0)  }
0x141: {  	v10 =	vld [tilespmem:s24+$0x330];
	(v2sf) =	vpush v5, $0xF  }
0x142: {  	v11 =	vld [tilespmem:s24+$0x340]  }
0x143: {  	v5 =	vld [tilespmem:s24+$0x350]  }
0x144: {  	v6 =	vld [tilespmem:s24+$0x360]  }
0x145: {  	v26 =	vld [tilespmem:s24+$0x200]  }
0x146: {  	v27 =	vld [tilespmem:s24+$0x210]  }
0x147: {  	v14 =	vld [tilespmem:s24+$0x220]  }
0x148: {  	v15 =	vld [tilespmem:s24+$0x230]  }
0x149: {  	v16 =	vld [tilespmem:s24+$0x240]  }
0x14a: {  	v7 =	vld [tilespmem:s24+$0x250]  }
0x14b: {  	v8 =	vld [tilespmem:s24+$0x260]  }
0x14c: {  	v31 =	vld [tilespmem:s24+$0x100]  }
0x14d: {  	v32 =	vld [tilespmem:s24+$0x110]  }
0x14e: {  	v21 =	vld [tilespmem:s24+$0x120]  }
0x14f: {  	v22 =	vld [tilespmem:s24+$0x130]  }
0x150: {  	s30 =	sshra.s32 s25, $0x2;
	s25 =	smov.u32 s26;
	v23 =	vld [tilespmem:s24+$0x140];
	s28 =	spop (v2sf)  }
0x151: {  	s30 =	sadd.s32 s30, s21;
	v12 =	vld [tilespmem:s24+$0x150];
	s28 =	sxor.u32 $0x80000000, s28  }
0x152: {  	v13 =	vld [tilespmem:s24+$0x160];
	[smem:s30] =	sst s28;
	p2 =	sgt.s32 s29, s28  }
0x153: {  	v36 =	vld [tilespmem:s24+$0x0];
	s28 =	smov.u32 @p2 s29  }
0x154: {  	v37 =	vld [tilespmem:s24+$0x10]  }
0x155: {  	v28 =	vld [tilespmem:s24+$0x20]  }
0x156: {  	v29 =	vld [tilespmem:s24+$0x30]  }
0x157: {  	v30 =	vld [tilespmem:s24+$0x40]  }
0x158: {  	v17 =	vld [tilespmem:s24+$0x50]  }
0x159: {  	v18 =	vld [tilespmem:s24+$0x60]  }
0x15a: {  	v38 =	vld [tilespmem:s24+$0xFFFFFF00]  }
0x15b: {  	v39 =	vld [tilespmem:s24+$0xFFFFFF10]  }
0x15c: {  	v33 =	vld [tilespmem:s24+$0xFFFFFF20]  }
.Ltmp9:
0x15d: {  	v34 =	vld [tilespmem:s24+$0xFFFFFF30];
	(pc) =	sbr.rel @p1 .LBB2_17-.Ltmp9, $4  }
0x15e: {  	v35 =	vld [tilespmem:s24+$0xFFFFFF40]  }
0x15f: {  	v24 =	vld [tilespmem:s24+$0xFFFFFF50]  }
0x160: {  	v25 =	vld [tilespmem:s24+$0xFFFFFF60]  }
0x161: {  	s26 =	sadd.s32 $0x4, s26;
	v40 =	vld [tilespmem:s24+$0xFFFFFE00]  }
0x162: {  	v41 =	vld [tilespmem:s24+$0xFFFFFE10]  }
0x163: {  	v44 =	vld [tilespmem:s24+$0xFFFFFD00]  }
0x164: {  	v45 =	vld [tilespmem:s24+$0xFFFFFC00]  }
0x165: {  	v46 =	vld [tilespmem:s24+$0xFFFFFC10]  }
0x166: {  	v47 =	vld [tilespmem:s24+$0xFFFFFD10]  }
0x167: {  	v48 =	vld [tilespmem:s24+$0xFFFFFE40]  }
0x168: {  	v50 =	vld [tilespmem:s24+$0xFFFFFC20]  }
0x169: {  	v51 =	vld [tilespmem:s24+$0xFFFFFD20]  }
0x16a: {  	v52 =	vld [tilespmem:s24+$0xFFFFFC30]  }
0x16b: {  	v56 =	vld [tilespmem:s24+$0xFFFFFD30]  }
0x16c: {  	v57 =	vld [tilespmem:s24+$0xFFFFFC40]  }
0x16d: {  	v58 =	vld [tilespmem:s24+$0xFFFFFD40]  }
0x16e: {  	v59 =	vld [tilespmem:s24+$0xFFFFFC50]  }
0x16f: {  	v60 =	vld [tilespmem:s24+$0xFFFFFD50]  }
0x170: {  	v61 =	vld [tilespmem:s24+$0xFFFFFC60]  }
0x171: {  	v44 =	vmax.f32 v45, v44;
	v45 =	vld [tilespmem:s24+$0xFFFFFD60]  }
0x172: {  	v55 =	vmax.f32 v46, v47;
	v46 =	vld [tilespmem:s24+$0xFFFFFC70];
	v40 =	vmax.f32 v44, v40  }
0x173: {  	v62 =	vmax.f32 v50, v51;
	v47 =	vld [tilespmem:s24+$0xFFFFFD70];
	v41 =	vmax.f32 v55, v41;
	v38 =	vmax.f32 v40, v38  }
0x174: {  	v43 =	vld [tilespmem:s24+$0xFFFFFE30];
	v63 =	vmax.f32 v52, v56;
	v39 =	vmax.f32 v41, v39;
	v36 =	vmax.f32 v38, v36  }
0x175: {  	v42 =	vld [tilespmem:s24+$0xFFFFFE20];
	v56 =	vmax.f32 v59, v60;
	v37 =	vmax.f32 v39, v37;
	v31 =	vmax.f32 v36, v31  }
0x176: {  	v44 =	vmax.f32 v57, v58;
	v32 =	vmax.f32 v37, v32;
	v26 =	vmax.f32 v31, v26  }
0x177: {  	v27 =	vmax.f32 v32, v27;
	v32 =	vmax.f32 v44, v48;
	v57 =	vmax.f32 v61, v45  }
0x178: {  	v49 =	vld [tilespmem:s24+$0xFFFFFE50];
	v58 =	vmax.f32 v46, v47;
	v19 =	vmax.f32 v26, v19;
	v20 =	vmax.f32 v27, v20  }
0x179: {  	v48 =	vld [tilespmem:s24+$0xFFFFFE70];
	v27 =	vmax.f32 v63, v43;
	v32 =	vmax.f32 v32, v35;
	v19 =	vmax.f32 v19, v20  }
0x17a: {  	v38 =	vld [tilespmem:s24+$0xFFFFFE60];
	v20 =	vmax.f32 v62, v42;
	v27 =	vmax.f32 v27, v34;
	v50 =	vmax.f32 v32, v30  }
0x17b: {  	v51 =	vld [tilespmem:s24+$0xFFFFFF70];
	v20 =	vmax.f32 v20, v33;
	v27 =	vmax.f32 v27, v29;
	v53 =	vmax.f32 v50, v23  }
0x17c: {  	v54 =	vld [tilespmem:s24+$0x70];
	v20 =	vmax.f32 v20, v28;
	v52 =	vmax.f32 v27, v22;
	v16 =	vmax.f32 v53, v16  }
0x17d: {  	v55 =	vld [tilespmem:s24+$0x170];
	v20 =	vmax.f32 v20, v21;
	v15 =	vmax.f32 v52, v15;
	v11 =	vmax.f32 v16, v11  }
0x17e: {  	v59 =	vld [tilespmem:s24+$0x270];
	v16 =	vmax.f32 v58, v48;
	v14 =	vmax.f32 v20, v14;
	v10 =	vmax.f32 v15, v10  }
0x17f: {  	v60 =	vld [tilespmem:s24+$0x370];
	v15 =	vmax.f32 v57, v38;
	v9 =	vmax.f32 v14, v9;
	v14 =	vmax.f32 v56, v49  }
0x180: {  	v16 =	vmax.f32 v16, v51;
	v15 =	vmax.f32 v15, v25;
	v14 =	vmax.f32 v14, v24  }
0x181: {  	v16 =	vmax.f32 v16, v54;
	v15 =	vmax.f32 v15, v18;
	v14 =	vmax.f32 v14, v17  }
0x182: {  	v61 =	vmax.f32 v16, v55;
	v13 =	vmax.f32 v15, v13;
	v12 =	vmax.f32 v14, v12  }
0x183: {  	v62 =	vmax.f32 v61, v59;
	v8 =	vmax.f32 v13, v8;
	v7 =	vmax.f32 v12, v7  }
0x184: {  	v6 =	vmax.f32 v8, v6;
	v5 =	vmax.f32 v7, v5;
	v7 =	vmax.f32 v62, v60  }
0x185: {  	v63 =	vmax.f32 v9, v10;
	v5 =	vmax.f32 v11, v5;
	v6 =	vmax.f32 v6, v7  }
0x186: {  	v7 =	vmax.f32 v19, v63;
	v5 =	vmax.f32 v5, v6  }
0x187: {  	v5 =	vmax.f32 v7, v5  }
0x188: {  	v6 =	vshra.s32 v5, $0x1F  }
0x189: {  	v6 =	vor.u32 $0x80000000, v6  }
0x18a: {  	v5 =	vxor.u32 v5, v6  }
0x18b: {  	v5 =	vshrl.u32 v5, $0x11  }
0x18c: {  	v6 =	vor.u32 $0x80000000, v5  }
0x18d: {  	(xrf0) =	vmax.scan.msk.u32 $0xffff, v6;
	_ =	sdelay $0x5  }
0x18e: {  	v6, _, _ =	vpop (xrf0)  }
0x18f: {  	(v2sf) =	vpush v6, $0xF;
	_ =	sdelay $0xd  }
.Ltmp10:
0x190: {  	_ = 	snop;
	(pc) =	sbr.rel @p0 .LBB2_22-.Ltmp10, $4  }
0x191: {  	s31 =	spop (v2sf)  }
0x192: {  	s30 =	sshra.s32 s25, $0x2;
	s26 =	sxor.u32 $0x80000000, s31  }
0x193: {  	s24 =	sadd.s32 s30, s21;
	p1 =	sgt.s32 s28, s26  }
0x194: {  	[tilespmem:v5+s2+$0x0] =	vst.idx.add.s32.msk $0xffff, v3;
	[smem:s24] =	sst s26;
	s26 =	smov.u32 @p1 s28  }
0x195: {  	s24 =	smul.u32 $0x70000, s23;
	_ =	sdelay $0x1  }
0x196: {  	s24 =	sadd.s32 s24, s8  }
0x197: {  	s24 =	sshrl.u32 s24, $0x3  }
0x198: {  	s25 =	simm.s32 $0x8080;
	s24 =	sadd.s32 s3, s24  }
0x199: {  	s28 =	simm.s32 $0x80;
	s29 =	simm.s32 $0x8180;
	s30 =	sadd.s32 $0x0, s24  }
.LBB2_20:
0x19a: {  	[tilespmem:s25], [sflag:$0x2] =	stream.linear.gather [hbm4b:s30+s2], $0x80, $0x38;
	[tilespmem:$0x16800] =	vst v63  }
0x19b: {  	s30 =	smov.u32 s28;
	s25 =	smov.u32 s29;
	p0 =	sne.s32 s28, $0x6F80  }
.Ltmp11:
0x19c: {  	s28 =	sadd.s32 $0x80, s28;
	(pc) =	sbr.rel @p0 .LBB2_20-.Ltmp11, $2  }
0x19d: {  	_ =	sdelay $0x2  }
0x19e: {  	s29 =	sadd.s32 $0x100, s29;
	s30 =	sadd.s32 s30, s24  }
.Ltmp12:
0x19f: {  	(pc) =	sbr.rel .LBB2_10-.Ltmp12, $3  }
0x1a0: {  	_ =	sdelay $0x1  }
0x1a1: {  	[tilespmem:s25], [sflag:$0x2] =	stream.linear.gather [hbm4b:s30+s2], $0x80, $0x38;
	[tilespmem:$0x16800] =	vst v63  }
0x1a2: {  	s23 =	sadd.s32 $0x1, s23;
	s22 =	sadd.s32 $0x38, s22;
	s21 =	sadd.s32 $0x38, s21  }
.LBB2_22:
0x1a3: {  	s21 =	sshll.u32 s26, $0x2  }
0x1a4: {  	s22 =	sand.u32 $0xFFFFFFF0, s26;
	s24 =	simm.s32 $0x0;
	s21 =	sshra.s32 s21, $0x2  }
0x1a5: {  	s23 =	simm.s32 $0xFFFFFFFF;
	s22 =	sadd.s32 $0xFFFFFFFF, s22;
	s21 =	sand.u32 $0xFFFFFFF0, s21  }
.LBB2_23:
0x1a6: {  	v5 =	vld [tilespmem:s21+$0x0];
	_ =	sdelay $0x4  }
0x1a7: {  	v6 =	vperm.xlane v5, v4;
	_ =	sdelay $0x1  }
0x1a8: {  	(xrf0) =	vadd.scan.msk.s32 $0xffff, v6;
	_ =	sdelay $0x5  }
0x1a9: {  	v6, _, _ =	vpop (xrf0)  }
0x1aa: {  	v6 =	vadd.s32 s24, v6  }
0x1ab: {  	vm0 =	vgt.s32 v6, $0x63  }
0x1ac: {  	v6 =	vsel vm0, $0x1, v1  }
0x1ad: {  	(xrf0) =	vadd.scan.msk.s32 $0xffff, v6;
	_ =	sdelay $0x5  }
0x1ae: {  	(xrf0) =	vadd.scan.msk.s32 $0xffff, v5;
	v5, _, _ =	vpop (xrf0)  }
0x1af: {  	(v2sf) =	vpush v5, $0xF;
	_ =	sdelay $0x5  }
0x1b0: {  	v5, _, _ =	vpop (xrf0)  }
0x1b1: {  	(v2sf) =	vpush v5, $0xF;
	_ =	sdelay $0x7  }
0x1b2: {  	s25 =	spop (v2sf)  }
0x1b3: {  	p0 =	sgt.s32 s25, $0x0;
	s25 =	sadd.s32 s22, s25  }
0x1b4: {  	s23 =	smov.u32 @p0 s25  }
0x1b5: {  	p0 =	slt.s32 s23, $0x0  }
.Ltmp13:
0x1b6: {  	_ = 	snop;
	(pc) =	sbr.rel @p0 .LBB2_23-.Ltmp13, $3  }
0x1b7: {  	_ =	sdelay $0x1  }
0x1b8: {  	s31 =	spop (v2sf)  }
0x1b9: {  	s21 =	sadd.s32 $0xFFFFFFF0, s21;
	s22 =	sadd.s32 $0xFFFFFFF0, s22;
	s24 =	sadd.s32 s24, s31  }
.Ltmp14:
0x1ba: {  	(pc) =	sbr.rel .LBB2_25-.Ltmp14, $4  }
0x1bb: {  	_ = 	snop  }
0x1bc: {  	s21 =	smax.u32 s23, $0x1  }
0x1bd: {  	s21 =	sadd.s32 $0xFFFFFFFF, s21  }
0x1be: {  	s22 =	simm.s32 $0x0;
	s24 =	simm.s32 $0x0;
	s23 =	simm.s32 $0x0;
	v5 =	vmov s21  }
.LBB2_29:
0x1bf: {  	s23 =	sadd.s32 $0x1, s23  }
0x1c0: {  	p0 =	sne.s32 s23, $0x2D8  }
.Ltmp15:
0x1c1: {  	_ = 	snop;
	(pc) =	sbr.rel @!p0 .LBB2_30-.Ltmp15, $2  }
0x1c2: {  	_ =	sdelay $0x2  }
0x1c3: {  	s22 =	sadd.s32 $0x400, s22  }
.LBB2_25:
0x1c4: {  	s25 =	sld [smem:s23+$0x0];
	_ =	sdelay $0x2  }
0x1c5: {  	p0 =	slt.s32 s25, s21  }
.Ltmp16:
0x1c6: {  	_ = 	snop;
	(pc) =	sbr.rel @p0 .LBB2_29-.Ltmp16, $1  }
0x1c7: {  	_ =	sdelay $0x3  }
0x1c8: {  	s25 =	sshll.u32 s23, $0xD  }
0x1c9: {  	s25 =	sadd.s32 s4, s25  }
0x1ca: {  	s25 =	sshrl.u32 s25, $0x3  }
0x1cb: {  	s25 =	sadd.s32 s3, s25  }
0x1cc: {  	[tilespmem:s19], [sflag:$0x3] =	stream.strided.gather [hbm4b:s25+s14], $0x400, s15, s14, $0x38;
	[tilespmem:$0x16800] =	vst v63  }
0x1cd: {  	_ =	swait.ge [sflag:s17], $0x400  }
0x1ce: {  	[sflag:s17] =	ssyncset.done $0x0  }
0x1cf: {  	s31 =	simm.s32 $0x0;
	[sflag:s17] =	ssyncadd.s32 $0xFFFFFC00  }
0x1d0: {  	v6 =	vld [tilespmem:s31+$0x16000];
	_ =	sdelay $0x4  }
0x1d1: {  	v7 =	vshra.s32 v6, $0x1F  }
0x1d2: {  	v7 =	vor.u32 $0x80000000, v7  }
0x1d3: {  	v7 =	vxor.u32 v6, v7  }
0x1d4: {  	v7 =	vshrl.u32 v7, $0x11  }
0x1d5: {  	vm0 =	vge.s32 v7, v5  }
0x1d6: {  	v7 =	vsel vm0, $0x1, v1  }
0x1d7: {  	(xrf0) =	vadd.scan.msk.s32 $0xffff, v7;
	_ =	sdelay $0x4  }
0x1d8: {  	p0 =	slt.s32 s24, $0x1F0;
	s25 =	smov.u32 s24  }
0x1d9: {  	s25 =	simm.s32 @!p0 $0x1F0;
	v7, _, _ =	vpop (xrf0)  }
0x1da: {  	[tilespmem:s25+$0x16400] =	vst.msk vm0, v6;
	v6 =	vor.u32 s22, v0;
	(v2sf) =	vpush v7, $0xF  }
0x1db: {  	s28 =	simm.s32 $0x10;
	s26 =	simm.s32 $0x80;
	[tilespmem:s25+$0x16600] =	vst.msk vm0, v6;
	s25 =	smov.u32 s22  }
.LBB2_27:
0x1dc: {  	p0 =	sne.s32 s26, $0xFC0;
	v6 =	vld [tilespmem:s28+$0x16000];
	_ =	sdelay $0x4  }
0x1dd: {  	v7 =	vshra.s32 v6, $0x1F  }
0x1de: {  	v7 =	vor.u32 $0x80000000, v7  }
0x1df: {  	v7 =	vxor.u32 v6, v7  }
0x1e0: {  	v7 =	vshrl.u32 v7, $0x11  }
0x1e1: {  	vm0 =	vge.s32 v7, v5  }
0x1e2: {  	v7 =	vsel vm0, $0x1, v1  }
0x1e3: {  	(xrf0) =	vadd.scan.msk.s32 $0xffff, v7;
	_ =	sdelay $0x1  }
0x1e4: {  	s28 =	spop (v2sf)  }
0x1e5: {  	s24 =	sadd.s32 s24, s28  }
.Ltmp17:
0x1e6: {  	p1 =	slt.s32 s24, $0x1F0;
	s28 =	smov.u32 s24;
	(pc) =	sbr.rel @p0 .LBB2_27-.Ltmp17, $4  }
0x1e7: {  	s25 =	sadd.s32 $0x10, s25;
	s28 =	simm.s32 @!p1 $0x1F0  }
0x1e8: {  	[tilespmem:s28+$0x16400] =	vst.msk vm0, v6;
	v6 =	vor.u32 s25, v0;
	v7, _, _ =	vpop (xrf0)  }
0x1e9: {  	[tilespmem:s28+$0x16600] =	vst.msk vm0, v6;
	(v2sf) =	vpush v7, $0xF  }
0x1ea: {  	s28 =	sshra.s32 s26, $0x2;
	s26 =	sadd.s32 $0x40, s26  }
0x1eb: {  	v6 =	vld [tilespmem:s28+$0x16000];
	_ =	sdelay $0x4  }
0x1ec: {  	v7 =	vshra.s32 v6, $0x1F  }
0x1ed: {  	v7 =	vor.u32 $0x80000000, v7  }
0x1ee: {  	v7 =	vxor.u32 v6, v7  }
0x1ef: {  	v7 =	vshrl.u32 v7, $0x11  }
0x1f0: {  	vm0 =	vge.s32 v7, v5  }
0x1f1: {  	v7 =	vsel vm0, $0x1, v1  }
0x1f2: {  	(xrf0) =	vadd.scan.msk.s32 $0xffff, v7;
	_ =	sdelay $0x5  }
0x1f3: {  	v7, _, _ =	vpop (xrf0)  }
0x1f4: {  	(v2sf) =	vpush v7, $0xF;
	_ =	sdelay $0xa  }
0x1f5: {  	s26 =	spop (v2sf)  }
.Ltmp18:
0x1f6: {  	s24 =	sadd.s32 s24, s26;
	(pc) =	sbr.rel .LBB2_29-.Ltmp18, $4  }
0x1f7: {  	p0 =	slt.s32 s24, $0x1F0;
	s26 =	smov.u32 s24  }
0x1f8: {  	s25 =	sadd.s32 $0x10, s25;
	s26 =	simm.s32 @!p0 $0x1F0  }
0x1f9: {  	[tilespmem:s26+$0x16400] =	vst.msk vm0, v6;
	v6 =	vor.u32 s25, v0;
	s31 =	spop (v2sf)  }
0x1fa: {  	[tilespmem:s26+$0x16600] =	vst.msk vm0, v6;
	s24 =	sadd.s32 s24, s31  }
.LBB2_31:
0x1fb: {  	_ =	sfence.sel $0x180000  }
0x1fc: {  	[bflag:$0x0] =	sbarrier.arrive $0xFFFF  }
0x1fd: {  	p0 =	sne.s32 s1, $0x0;
	_ =	strace $0x90000047  }
0x1fe: {  	s0 =	sadd.s32 @!p0 $0x100000, s0;
	[bflag:$0x2] =	sbarrier.arrive $0xFFFF  }
0x1ff: {  	[sflag:s0] =	ssyncadd.tile.s32 @!p0 $0x1;
	_ =	shalt  }
.Lfunc_end2:
_tile_overlayer_lowered:
.L_overlay_start_2:
0x200: {  	(tag) =	ssettag $0x2  }
0x201: {  	s0 =	rddreg [dreg:$0x0];
	s2 =	stileid.u32  }
0x202: {  	s1 =	rddreg [dreg:$0x1];
	p0 =	sne.s32 s2, $0x0  }
0x203: {  	s3 =	rddreg [dreg:$0x2];
	[bflag:$0x3] =	sbarrier.arrive $0xFFFF;
	s2 =	simm.s32 @!p0 $0x1C03  }
0x204: {  	[timem:s3], [sflag:s2] =	dma.local @!p0 [hbm:s0], s1  }
0x205: {  	s0 =	simm.s32 @!p0 $0x3  }
0x206: {  	_ =	swait.ge @!p0 [sflag:s0], s1  }
0x207: {  	s1 =	ssub.s32 @!p0 $0x0, s1;
	[sflag:s0] =	ssyncset.done @!p0 $0x0  }
0x208: {  	[sflag:s0] =	ssyncadd.s32 @!p0 s1  }
0x209: {  	[bflag:$0x3] =	sbarrier.arrive $0xFFFF  }
0x20a: {  	_ =	shalt  }

// kernel: kernel.7.cloned.1.call-start
scs
__scs_entry_jumppad:
0x0: {  	(pc) =	sbr.rel $0x88, $3  }
0x1: {  	(tag) =	ssettag $0x0;
	lr =	simm.s32 $0x1  }
0x2: {  	[smem:$0x3F9E] =	sst lr;
	_ =	strace $0xD0000000  }
0x3: {  	_ = 	snop  }
0x4: {  	_ = 	snop  }
0x5: {  	_ = 	snop  }
0x6: {  	_ = 	snop  }
0x7: {  	_ = 	snop  }
__scs_overlays_trampoline_lowered:
0x8: {  	[smem:$0x3FAD] =	sst s0  }
0x9: {  	[smem:$0x3FAE] =	sst s1  }
0xa: {  	[smem:$0x3FAF] =	sst s2  }
0xb: {  	[smem:$0x3FB0] =	sst s3  }
0xc: {  	[smem:$0x3FB1] =	sst s4  }
0xd: {  	[smem:$0x3FB2] =	sst s5  }
0xe: {  	[smem:$0x3FB3] =	sst s6  }
0xf: {  	[smem:$0x3FB4] =	sst s7  }
0x10: {  	[smem:$0x3FB5] =	sst s8  }
0x11: {  	[smem:$0x3FB6] =	sst s9;
	s0 =	simm.s32 @!p0 $0x0  }
0x12: {  	s1 =	sld [smem:$0x3F9C];
	s0 =	simm.s32 @p0 $0x1  }
0x13: {  	[smem:$0x3FB7] =	sst s0;
	s0 =	simm.s32 @!p1 $0x0  }
0x14: {  	s2 =	sld [smem:$0x3F9B];
	s0 =	simm.s32 @p1 $0x1  }
0x15: {  	[smem:$0x3FB8] =	sst s0;
	s0 =	simm.s32 @!p2 $0x0  }
0x16: {  	s3 =	sld [smem:$0x3FDB];
	s0 =	simm.s32 @p2 $0x1  }
0x17: {  	s4 =	simm.s32 $0x1BF5;
	[smem:$0x3FBA] =	sst s0  }
0x18: {  	s0 =	sld [smem:$0x3F9D];
	_ =	swait.ge [sflag:s4], $0x0  }
0x19: {  	s7 =	sld [smem:$0x3F9E]  }
0x1a: {  	s8 =	sadd.s32 $0xFFFFE003, lr  }
0x1b: {  	s9 =	sadd.s32 $0xFFFFFEF7, lr;
	s5 =	simm.s32 $0xFFFFFFFF;
	p2 =	slt.u32 s8, $0xFFFFF086  }
0x1c: {  	p1 =	slt.u32 s9, $0xF7A;
	s5 =	simm.s32 @!p2 $0x0  }
0x1d: {  	s5 =	simm.s32 @p1 $0x1;
	p0 =	seq.s32 s7, s2  }
0x1e: {  	s7 =	smul.u32 @!p0 $0xF7A, s2;
	p2 =	seq.s32 @!p0 s5, $0x0  }
0x1f: {  	s9 =	smul.u32 $0xF7A, s1;
	s8 =	simm.s32 @!p0 $0x1BF5;
	p2 =	por !p2, p0  }
0x20: {  	[sflag:s8] =	ssyncset.s32 @!p0 $0xFFFFF086;
	s6 =	sadd.s32 @!p0 s3, s7;
	s7 =	simm.s32 @!p0 $0x108  }
0x21: {  	s3 =	sadd.s32 s3, s9;
	s6 =	sadd.s32 @!p0 $0x88, s6;
	s7 =	simm.s32 @p2 $0x1082  }
0x22: {  	[simem:s7], [sflag:s8] =	dma.local @!p0 [hbm:s6], $0xF7A  }
0x23: {  	s9 =	sor.u32 $0xD0000000, s2;
	s6 =	simm.s32 $0x108;
	_ =	swait.ge @!p0 [sflag:s8], $0x0  }
0x24: {  	s3 =	sadd.s32 $0x88, s3;
	s6 =	simm.s32 @!p1 $0x1082;
	[sflag:s4] =	ssyncset.s32 $0xFFFFF086  }
0x25: {  	[simem:s6], [sflag:s4] =	dma.local [hbm:s3], $0xF7A  }
0x26: {  	[smem:$0x3F9E] =	sst s1;
	(tag) =	ssettag s2;
	_ =	strace s9  }
0x27: {  	s1 =	sld [smem:$0x3FAE]  }
0x28: {  	s2 =	sld [smem:$0x3FAF]  }
0x29: {  	s4 =	sld [smem:$0x3FB1]  }
0x2a: {  	p0 =	seq.s32 s5, $0x0;
	s5 =	sld [smem:$0x3FB2]  }
0x2b: {  	s6 =	sld [smem:$0x3FB3]  }
0x2c: {  	s7 =	sld [smem:$0x3FB4]  }
0x2d: {  	s3 =	simm.s32 $0x108;
	s8 =	sld [smem:$0x3FB5]  }
0x2e: {  	s3 =	simm.s32 @!p0 $0x1082;
	s9 =	sld [smem:$0x3FB6]  }
0x2f: {  	lr =	sadd.s32 s0, s3;
	s0 =	sld [smem:$0x3FAD]  }
0x30: {  	s3 =	sld [smem:$0x3FB0]  }
0x31: {  	[smem:$0x3FB9] =	sst s10  }
0x32: {  	s10 =	sld [smem:$0x3FB7];
	_ =	sdelay $0x3  }
0x33: {  	p0 =	seq.s32 s10, $0x1;
	s10 =	sld [smem:$0x3FB9];
	_ =	sdelay $0x3  }
0x34: {  	[smem:$0x3FB9] =	sst s10  }
0x35: {  	s10 =	sld [smem:$0x3FB8];
	_ =	sdelay $0x3  }
0x36: {  	p1 =	seq.s32 s10, $0x1;
	s10 =	sld [smem:$0x3FB9];
	_ =	sdelay $0x3  }
0x37: {  	[smem:$0x3FB9] =	sst s10  }
0x38: {  	s10 =	sld [smem:$0x3FBA]  }
0x39: {  	_ = 	snop;
	(pc) =	sbr.ind lr, $3  }
0x3a: {  	_ = 	snop  }
0x3b: {  	_ = 	snop  }
0x3c: {  	p2 =	seq.s32 s10, $0x1;
	s10 =	sld [smem:$0x3FB9]  }
0x3d: {  	_ =	shalt  }
0x3e: {  	_ =	shalt  }
0x3f: {  	_ =	shalt  }
0x40: {  	_ =	shalt  }
0x41: {  	_ =	shalt  }
0x42: {  	_ =	shalt  }
0x43: {  	_ =	shalt  }
0x44: {  	_ =	shalt  }
0x45: {  	_ =	shalt  }
0x46: {  	_ =	shalt  }
0x47: {  	_ =	shalt  }
0x48: {  	_ =	shalt  }
0x49: {  	_ =	shalt  }
0x4a: {  	_ =	shalt  }
0x4b: {  	_ =	shalt  }
0x4c: {  	_ =	shalt  }
0x4d: {  	_ =	shalt  }
0x4e: {  	_ =	shalt  }
0x4f: {  	_ =	shalt  }
0x50: {  	_ =	shalt  }
0x51: {  	_ =	shalt  }
0x52: {  	_ =	shalt  }
0x53: {  	_ =	shalt  }
0x54: {  	_ =	shalt  }
0x55: {  	_ =	shalt  }
0x56: {  	_ =	shalt  }
0x57: {  	_ =	shalt  }
0x58: {  	_ =	shalt  }
0x59: {  	_ =	shalt  }
0x5a: {  	_ =	shalt  }
0x5b: {  	_ =	shalt  }
0x5c: {  	_ =	shalt  }
0x5d: {  	_ =	shalt  }
0x5e: {  	_ =	shalt  }
0x5f: {  	_ =	shalt  }
0x60: {  	_ =	shalt  }
0x61: {  	_ =	shalt  }
0x62: {  	_ =	shalt  }
0x63: {  	_ =	shalt  }
0x64: {  	_ =	shalt  }
0x65: {  	_ =	shalt  }
0x66: {  	_ =	shalt  }
0x67: {  	_ =	shalt  }
0x68: {  	_ =	shalt  }
0x69: {  	_ =	shalt  }
0x6a: {  	_ =	shalt  }
0x6b: {  	_ =	shalt  }
0x6c: {  	_ =	shalt  }
0x6d: {  	_ =	shalt  }
0x6e: {  	_ =	shalt  }
0x6f: {  	_ =	shalt  }
0x70: {  	_ =	shalt  }
0x71: {  	_ =	shalt  }
0x72: {  	_ =	shalt  }
0x73: {  	_ =	shalt  }
0x74: {  	_ =	shalt  }
0x75: {  	_ =	shalt  }
0x76: {  	_ =	shalt  }
0x77: {  	_ =	shalt  }
0x78: {  	_ =	shalt  }
0x79: {  	_ =	shalt  }
0x7a: {  	_ =	shalt  }
0x7b: {  	_ =	shalt  }
0x7c: {  	_ =	shalt  }
0x7d: {  	_ =	shalt  }
0x7e: {  	_ =	shalt  }
0x7f: {  	_ =	shalt  }
0x80: {  	_ =	shalt  }
0x81: {  	_ =	shalt  }
0x82: {  	_ =	shalt  }
0x83: {  	_ =	shalt  }
0x84: {  	_ =	shalt  }
0x85: {  	_ =	shalt  }
0x86: {  	_ =	shalt  }
0x87: {  	_ =	shalt  }
.Lfunc_end0:
.L_simem_size_0:
called_computation.2_lowered:
.L_overlay_start_0:
0x88: {  	s2 =	sld [smem:$0x3FD9]  }
0x89: {  	s3 =	sld [smem:$0x3FFE];
	_ =	sdelay $0x1  }
0x8a: {  	s1 =	srdreg.scid  }
0x8b: {  	s0 =	sand.u32 $0x1, s1  }
0x8c: {  	s14 =	sshll.u32 s0, $0xA;
	s2 =	sadd.s32 s3, s2  }
0x8d: {  	s2 =	sadd.s32 s2, s14  }
0x8e: {  	[smem:$0x3FC5] =	sst s2  }
0x8f: {  	_ = 	snop  }
0x90: {  	s2 =	sld [smem:$0x3FD0];
	_ =	sdelay $0x2  }
0x91: {  	s15 =	simm.s32 $0xA;
	s4 =	simm.s32 $0x10  }
0x92: {  	[smem:s4], [sflag:s15] =	dma.local [hbm:s2], $0x1  }
0x93: {  	_ =	swait.eq [sflag:s15], $0x1  }
0x94: {  	[sflag:s15] =	ssyncset.done $0x0  }
0x95: {  	[sflag:s15] =	ssyncadd.s32 $0xFFFFFFFF  }
0x96: {  	s16 =	sld [smem:$0x12];
	(tm) =	ssettm $0x1  }
0x97: {  	s17 =	sld [smem:$0x3FFB];
	_ =	sdelay $0x3  }
0x98: {  	_ =	strace s17  }
0x99: {  	s3 =	sld [smem:$0x3FFC];
	_ =	sdelay $0x3  }
0x9a: {  	_ =	strace s3  }
0x9b: {  	s3 =	sld [smem:$0x3FFD];
	_ =	sdelay $0x3  }
0x9c: {  	_ =	strace s3  }
0x9d: {  	_ =	strace $0x8FFFFFFF  }
0x9e: {  	s18 =	sld [smem:$0x3FDB];
	_ =	sdelay $0x1  }
0x9f: {  	s19 =	simm.s32 $_scs_section_size  }
0xa0: {  	s5 =	simm.s32 $_size__tile_overlayer_lowered;
	s6 =	simm.s32 $_tile_overlayer_lowered  }
0xa1: {  	s22 =	simm.s32 $0x1BFF;
	s21 =	sshll.u32 s6, $0x1;
	s3 =	sadd.s32 s19, s18  }
0xa2: {  	s7 =	simm.s32 $0x0;
	s20 =	sshll.u32 s5, $0x1;
	s5 =	sadd.s32 s21, s3  }
0xa3: {  	[timem:s7], [sflag:s22] =	dma.local [hbm:s5], s20  }
0xa4: {  	_ =	swait.ge [sflag:s22], s20  }
0xa5: {  	s4 =	ssub.s32 $0x0, s20;
	[sflag:s22] =	ssyncset.done $0x0  }
0xa6: {  	[sflag:s22] =	ssyncadd.s32 s4;
	_ =	sdelay $0x1  }
0xa7: {  	s23 =	simm.s32 $0x1B8B  }
0xa8: {  	_ =	swait.ge [sflag:s23], $0x1  }
0xa9: {  	[sflag:s23] =	ssyncset.done $0x0  }
0xaa: {  	s25 =	simm.s32 $0x1B8E;
	s24 =	sld [smem:$0x3FFE];
	[sflag:s23] =	ssyncadd.s32 $0xFFFFFFFF  }
0xab: {  	s26 =	simm.s32 $execute0_lowered;
	[smem:$0x3FD2] =	sst s25  }
0xac: {  	s5 =	sshll.u32 s26, $0x1;
	_ =	strace $0x8000004C;
	[dreg:$0x1] =	wrdreg $0xFFFFFFFF  }
0xad: {  	s28 =	simm.s32 $_size_execute0_lowered;
	s3 =	sadd.s32 s3, s5;
	[dreg:$0x0] =	wrdreg $0x0  }
0xae: {  	s5 =	sshll.u32 s28, $0x1;
	[dreg:$0x2] =	wrdreg s3  }
0xaf: {  	[dreg:$0x3] =	wrdreg s5  }
0xb0: {  	[dreg:$0x4] =	wrdreg $0xC0  }
0xb1: {  	_ =	task [dreg:s7], $0x5FFFF  }
0xb2: {  	[dreg:$0x1] =	wrdreg $0xFFFFFFFF  }
0xb3: {  	[dreg:$0x0] =	wrdreg $0x60  }
0xb4: {  	[dreg:$0x2] =	wrdreg s24  }
0xb5: {  	[dreg:$0x3] =	wrdreg s16  }
0xb6: {  	[dreg:$0x4] =	wrdreg $0x9  }
0xb7: {  	_ =	task.clear_ibuf [dreg:s7], $0x5FFFF;
	_ =	strace $0x9000004C  }
0xb8: {  	s29 =	simm.s32 $0x9;
	_ =	strace $0x8000004E  }
0xb9: {  	_ =	swait.ge [sflag:s29], $0x1  }
0xba: {  	[sflag:s29] =	ssyncadd.s32 $0xFFFFFFFF  }
0xbb: {  	_ =	strace $0x9000004E  }
0xbc: {  	_ =	sfence  }
0xbd: {  	s30 =	sld [smem:$0x0];
	_ =	sdelay $0x2  }
0xbe: {  	s31 =	sshll.u32 s1, $0xD;
	s1 =	sshrl.u32 s1, $0x2  }
0xbf: {  	s3 =	sand.u32 $0x4000, s31;
	s1 =	sadd.s32 s1, s30  }
0xc0: {  	s0 =	sor.u32 s3, s0;
	s1 =	sshll.u32 s1, $0x11  }
0xc1: {  	s0 =	sor.u32 s1, s0  }
0xc2: {  	s0 =	sadd.s32 $0x8F2B, s0  }
0xc3: {  	[sflag:s0] =	ssyncadd.remote.s32 $0x1  }
0xc4: {  	_ =	sfence.sel $0xFFFF  }
0xc5: {  	[dreg:$0x0] =	wrdreg $0xFFFFFFFF;
	(pc) =	sbr.abs _section_cstart, $3  }
0xc6: {  	[dreg:$0x1] =	wrdreg $0xFFFFFFFF  }
0xc7: {  	_ =	task.clear_ibuf [dreg:s7], $0x2FFFF;
	_ =	strace $0x9FFFFFFF  }
0xc8: {  	(tm) =	ssettm $0x7FFFFFFF  }
0xc9: {  	_ =	shalt  }
tec
execute0_lowered:
.L_overlay_start_1:
0x0: {  	(tag) =	ssettag $0x1  }
0x1: {  	s8 =	rddreg [dreg:$0x0];
	s1 =	srdreg.scid  }
0x2: {  	s0 =	stileid.u32;
	s3 =	rddreg [dreg:$0x1];
	s2 =	simm.s32 $0x0  }
0x3: {  	s6 =	sand.u32 $0x1, s1;
	s4 =	sshll.u32 s0, $0x1;
	s1 =	rddreg [dreg:$0x2]  }
0x4: {  	[smem:$0x7FF] =	sst s2;
	s5 =	sadd.s32 $0x1000, s8;
	s7 =	sor.u32 s6, s4  }
0x5: {  	_ =	strace $0x8000004D;
	s10 =	ssub.s32 $0x2, s6;
	s4 =	sshll.u32 s7, $0x4  }
0x6: {  	s6 =	simm.s32 $0x80;
	s4 =	sadd.s32 s3, s4;
	s3 =	simm.s32 $0x2  }
0x7: {  	[tilespmem:s2], [sflag:$0x2] =	stream.linear.gather [hbm4b:s4+s2], $0x80, $0x38;
	[tilespmem:$0xC80] =	vst v63  }
0x8: {  	s9 =	smul.u32 $0x180, s7;
	s11 =	sshrl.u32 s10, $0x1;
	_ =	swait.ge [sflag:s3], $0x80  }
0x9: {  	s7 =	simm.s32 $0x1;
	s31 =	ssub.s32 s10, s11;
	[sflag:s3] =	ssyncset.done $0x0  }
0xa: {  	s8 =	sadd.s32 s9, s8;
	s9 =	smax.u32 s31, $0x1;
	[sflag:s3] =	ssyncadd.s32 $0xFFFFFF80  }
0xb: {  	[tilespmem:s6], [sflag:$0x1] =	stream.indirect.gather [hbm4b:s5+s6], $0x18, s2, s6, $0xb8;
	[tilespmem:$0xC80] =	vst v63  }
0xc: {  	p0 =	sne.s32 s9, $0x1;
	_ =	swait.ge [sflag:s7], $0xC00  }
.Ltmp0:
0xd: {  	[sflag:s7] =	ssyncset.done $0x0;
	(pc) =	sbr.rel @!p0 .LBB2_2-.Ltmp0, $4  }
0xe: {  	s8 =	sadd.s32 $0xC1000, s8;
	[sflag:s7] =	ssyncadd.s32 $0xFFFFF400  }
0xf: {  	[hbm4b:s8+s2] =	stream.linear.scatter [tilespmem:s6], [sflag:$0x2], $0xC00, $0x38;
	[tilespmem:$0xC80] =	vst v63  }
0x10: {  	_ =	swait.ge [sflag:s3], $0xC00  }
0x11: {  	s9 =	sadd.s32 $0xFFFFFFFF, s9;
	[sflag:s3] =	ssyncset.done $0x0  }
.LBB2_1:
0x12: {  	p0 =	sne.s32 s9, $0x1;
	s9 =	sadd.s32 $0xFFFFFFFF, s9;
	[sflag:s3] =	ssyncadd.s32 $0xFFFFF400  }
0x13: {  	[tilespmem:s2], [sflag:$0x2] =	stream.linear.gather [hbm4b:s4+s2], $0x80, $0x38;
	[tilespmem:$0xC80] =	vst v63  }
0x14: {  	_ =	swait.ge [sflag:s3], $0x80  }
0x15: {  	[sflag:s3] =	ssyncset.done $0x0  }
0x16: {  	[sflag:s3] =	ssyncadd.s32 $0xFFFFFF80  }
0x17: {  	[tilespmem:s6], [sflag:$0x1] =	stream.indirect.gather [hbm4b:s5+s6], $0x18, s2, s6, $0xb8;
	[tilespmem:$0xC80] =	vst v63  }
0x18: {  	_ =	swait.ge [sflag:s7], $0xC00  }
.Ltmp1:
0x19: {  	[sflag:s7] =	ssyncset.done $0x0;
	(pc) =	sbr.rel @p0 .LBB2_1-.Ltmp1, $4  }
0x1a: {  	[sflag:s7] =	ssyncadd.s32 $0xFFFFF400  }
0x1b: {  	[hbm4b:s8+s2] =	stream.linear.scatter [tilespmem:s6], [sflag:$0x2], $0xC00, $0x38;
	[tilespmem:$0xC80] =	vst v63  }
0x1c: {  	_ =	swait.ge [sflag:s3], $0xC00  }
0x1d: {  	[sflag:s3] =	ssyncset.done $0x0  }
.LBB2_2:
0x1e: {  	[sflag:s3] =	ssyncadd.s32 $0xFFFFF400  }
0x1f: {  	_ =	sfence.sel $0x180000  }
0x20: {  	[bflag:$0x0] =	sbarrier.arrive $0xFFFF  }
0x21: {  	p0 =	sne.s32 s0, $0x0;
	_ =	strace $0x9000004D  }
0x22: {  	s0 =	sadd.s32 @!p0 $0x100000, s1;
	[bflag:$0x2] =	sbarrier.arrive $0xFFFF  }
0x23: {  	[sflag:s0] =	ssyncadd.tile.s32 @!p0 $0x1;
	_ =	shalt  }
.Lfunc_end2:
_tile_overlayer_lowered:
.L_overlay_start_2:
0x24: {  	(tag) =	ssettag $0x2  }
0x25: {  	s0 =	rddreg [dreg:$0x0];
	s2 =	stileid.u32  }
0x26: {  	s1 =	rddreg [dreg:$0x1];
	p0 =	sne.s32 s2, $0x0  }
0x27: {  	s3 =	rddreg [dreg:$0x2];
	[bflag:$0x3] =	sbarrier.arrive $0xFFFF;
	s2 =	simm.s32 @!p0 $0x1C02  }
0x28: {  	[timem:s3], [sflag:s2] =	dma.local @!p0 [hbm:s0], s1  }
0x29: {  	s0 =	simm.s32 @!p0 $0x2  }
0x2a: {  	_ =	swait.ge @!p0 [sflag:s0], s1  }
0x2b: {  	s1 =	ssub.s32 @!p0 $0x0, s1;
	[sflag:s0] =	ssyncset.done @!p0 $0x0  }
0x2c: {  	[sflag:s0] =	ssyncadd.s32 @!p0 s1  }
0x2d: {  	[bflag:$0x3] =	sbarrier.arrive $0xFFFF  }
0x2e: {  	_ =	shalt  }

</sc_bundles>
